<compile_context>
chip_gen: v7x
topology: tpu7x:2x2x1
jax: 0.10.2.dev20260603
libtpu: 0.0.44.dev20260713+nightly
codegen_flags: <defaults>
</compile_context>

<pallas_src>
import functools

import jax
import jax.numpy as jnp
from jax import lax
from jax.experimental import pallas as pl
from jax.experimental.pallas import tpu as pltpu
from jax.experimental.pallas import tpu_sc as plsc

_NC = 2
_NS = 16
_L = 16
_NW = _NC * _NS
_B = 16384
_F = 64
_BPW = _B // _NW
_CH = 128
_NCH = _BPW // _CH
_G = _BPW // _L


def _body(p_ref, poll_ref, pe_hbm, pb_hbm, qe_hbm, qb_hbm, out_hbm,
          idx_p, idx_q, pe_v, qe_v, pb_v, qb_v, out_v, sem):
    c = lax.axis_index("c")
    s = lax.axis_index("s")
    wid = s * _NC + c
    row0 = wid * _NCH
    base = wid * _BPW

    pltpu.sync_copy(p_ref.at[pl.ds(row0, _NCH)], idx_p)
    pltpu.sync_copy(poll_ref.at[pl.ds(row0, _NCH)], idx_q)

    copies = []
    for j in range(_NCH):
        dst = pl.ds(j * _CH, _CH)
        copies.append(pltpu.async_copy(pe_hbm.at[idx_p.at[j]], pe_v.at[dst], sem))
        copies.append(pltpu.async_copy(qe_hbm.at[idx_q.at[j]], qe_v.at[dst], sem))
        copies.append(pltpu.async_copy(pb_hbm.at[idx_p.at[j]], pb_v.at[dst], sem))
        copies.append(pltpu.async_copy(qb_hbm.at[idx_q.at[j]], qb_v.at[dst], sem))
    for cp in copies:
        cp.wait()

    iota = lax.iota(jnp.int32, _L)

    def group(g, carry):
        dots = jnp.zeros((_L,), jnp.float32)
        for r in range(_L):
            row = g * _L + r
            s_acc = None
            for k in range(_F // _L):
                a = pe_v[row, pl.ds(k * _L, _L)]
                b = qe_v[row, pl.ds(k * _L, _L)]
                s_acc = a * b if s_acc is None else s_acc + a * b
            dot = jnp.sum(s_acc)
            dots = jnp.where(iota == r, dot, dots)
        off = pl.ds(g * _L, _L)
        x = dots + pb_v[off] + qb_v[off]
        out_v[off] = 1.0 / (1.0 + jnp.exp(-x))
        return carry

    lax.fori_loop(0, _G, group, 0)

    pltpu.sync_copy(out_v, out_hbm.at[pl.ds(base, _BPW)])


@jax.jit
def kernel(p, poll, p_embed, p_bias, poll_embed, poll_bias):
    p2 = p.astype(jnp.int32).reshape(_NW * _NCH, _CH)
    q2 = poll.astype(jnp.int32).reshape(_NW * _NCH, _CH)
    mesh = plsc.VectorSubcoreMesh(core_axis_name="c", subcore_axis_name="s")
    run = pl.kernel(
        _body,
        mesh=mesh,
        compiler_params=pltpu.CompilerParams(
            needs_layout_passes=False, use_tc_tiling_on_sc=False),
        out_type=jax.ShapeDtypeStruct((_B,), jnp.float32),
        scratch_types=[
            pltpu.VMEM((_NCH, _CH), jnp.int32),
            pltpu.VMEM((_NCH, _CH), jnp.int32),
            pltpu.VMEM((_BPW, _F), jnp.float32),
            pltpu.VMEM((_BPW, _F), jnp.float32),
            pltpu.VMEM((_BPW,), jnp.float32),
            pltpu.VMEM((_BPW,), jnp.float32),
            pltpu.VMEM((_BPW,), jnp.float32),
            pltpu.SemaphoreType.DMA,
        ],
    )
    return run(p2, q2, p_embed, p_bias.reshape(-1), poll_embed,
               poll_bias.reshape(-1))

# --- scband reference (transcript-rebuilt; emitter-appended) ---
"""Pipeline reference for scband-politician-embedding-model-3908420239526 (READ-ONLY COPY).

The authoritative reference and input builder live on the scoring server;
editing this copy changes nothing except your own understanding.
"""

import jax, jax.numpy as jnp
import numpy as np

N_POLITICIANS = 100000
N_POLLS = 100000
N_FACTORS = 64
BATCH = 16384


def setup_inputs(seed: int = 0) -> dict:
    key = jax.random.key(seed)
    k1, k2, k3, k4, k5, k6 = jax.random.split(key, 6)
    p = jax.random.randint(k1, (BATCH,), 0, N_POLITICIANS, dtype=jnp.int64) if jax.config.read('jax_enable_x64') else jax.random.randint(k1, (BATCH,), 0, N_POLITICIANS, dtype=jnp.int32)
    poll = jax.random.randint(k2, (BATCH,), 0, N_POLLS, dtype=jnp.int32)
    p_embed = jax.random.normal(k3, (N_POLITICIANS, N_FACTORS), dtype=jnp.float32)
    p_bias = jax.random.normal(k4, (N_POLITICIANS, 1), dtype=jnp.float32)
    poll_embed = jax.random.normal(k5, (N_POLLS, N_FACTORS), dtype=jnp.float32)
    poll_bias = jax.random.normal(k6, (N_POLLS, 1), dtype=jnp.float32)
    return {
        "p": p,
        "poll": poll,
        "p_embed": p_embed,
        "p_bias": p_bias,
        "poll_embed": poll_embed,
        "poll_bias": poll_bias,
    }


def reference(p, poll, p_embed, p_bias, poll_embed, poll_bias):
    # gather embeddings (SparseCore-friendly gathers)
    pe = jnp.take(p_embed, p, axis=0)          # [B, F]
    qe = jnp.take(poll_embed, poll, axis=0)    # [B, F]
    dot = (pe * qe).sum(axis=1)                # [B]
    pb = jnp.take(p_bias, p, axis=0).squeeze(-1)       # [B]
    qb = jnp.take(poll_bias, poll, axis=0).squeeze(-1)  # [B]
    return jax.nn.sigmoid(dot + pb + qb)

if __name__ == "__main__":
    import jax
    _d = setup_inputs()
    print(jax.jit(kernel)(*tuple(_d.values())))

</pallas_src>

<mosaic_0001>
#map = affine_map<(d0, d1) -> (0, 0)>
#map1 = affine_map<(d0, d1) -> (0)>
module attributes {stable_mosaic.version = 14 : i64} {
  func.func @_body(%arg0: i32, %arg1: i32, %arg2: memref<128x128xi32, #tpu.memory_space<hbm>>, %arg3: memref<128x128xi32, #tpu.memory_space<hbm>>, %arg4: memref<100000x64xf32, #tpu.memory_space<hbm>>, %arg5: memref<100000xf32, #tpu.memory_space<hbm>>, %arg6: memref<100000x64xf32, #tpu.memory_space<hbm>>, %arg7: memref<100000xf32, #tpu.memory_space<hbm>>, %arg8: memref<16384xf32, #tpu.memory_space<hbm>>, %arg9: memref<4x128xi32, #tpu.memory_space<vmem>>, %arg10: memref<4x128xi32, #tpu.memory_space<vmem>>, %arg11: memref<512x64xf32, #tpu.memory_space<vmem>>, %arg12: memref<512x64xf32, #tpu.memory_space<vmem>>, %arg13: memref<512xf32, #tpu.memory_space<vmem>>, %arg14: memref<512xf32, #tpu.memory_space<vmem>>, %arg15: memref<512xf32, #tpu.memory_space<vmem>>, %arg16: memref<!tpu.dma_semaphore, #tpu.memory_space<semaphore_mem>>) attributes {dimension_semantics = [#tpu.dimension_semantics<core_parallel>, #tpu.dimension_semantics<subcore_parallel>], iteration_bounds = array<i64: 2, 16>, scalar_prefetch = 0 : i64, scratch_operands = 8 : i64, tpu.core_type = #tpu.core_type<sc_vector_subcore>, window_params = [{transform_indices = #map}, {transform_indices = #map}, {transform_indices = #map}, {transform_indices = #map1}, {transform_indices = #map}, {transform_indices = #map1}, {transform_indices = #map1}]} {
    %mul3A = arith.constant 2 : i32
    %mul3A_0 = arith.muli %arg1, %mul3A : i32
    %add3A = arith.addi %mul3A_0, %arg0 : i32
    %mul3A_1 = arith.constant 4 : i32
    %mul3A_2 = arith.muli %add3A, %mul3A_1 : i32
    %mul3A_3 = arith.constant 512 : i32
    %mul3A_4 = arith.muli %add3A, %mul3A_3 : i32
    "tpu.region"() ({
      %run_scoped3A = tpu.sem_alloc : memref<!tpu.dma_semaphore, #tpu.memory_space<semaphore_mem>>
      %dma_start3A_296 = arith.constant 0 : i32
      %dma_start3A_297 = tpu.memref_slice %arg2[%mul3A_2, %dma_start3A_296] : memref<128x128xi32, #tpu.memory_space<hbm>> -> memref<4x128xi32, #tpu.memory_space<hbm>>
      %dma_start3A_298 = arith.constant 0 : i32
      %dma_start3A_299 = tpu.memref_slice %arg2[%mul3A_2, %dma_start3A_298] : memref<128x128xi32, #tpu.memory_space<hbm>> -> memref<4x128xi32, #tpu.memory_space<hbm>>
      tpu.enqueue_dma source(%dma_start3A_299 : memref<4x128xi32, #tpu.memory_space<hbm>>) target(%arg9 : memref<4x128xi32, #tpu.memory_space<vmem>>) target_semaphore(%run_scoped3A : memref<!tpu.dma_semaphore, #tpu.memory_space<semaphore_mem>>)
      %dma_wait3A_300 = arith.constant 0 : i32
      %dma_wait3A_301 = tpu.memref_slice %arg2[%mul3A_2, %dma_wait3A_300] : memref<128x128xi32, #tpu.memory_space<hbm>> -> memref<4x128xi32, #tpu.memory_space<hbm>>
      %dma_wait3A_302 = arith.constant 0 : i32
      %dma_wait3A_303 = tpu.memref_slice %arg2[%mul3A_2, %dma_wait3A_302] : memref<128x128xi32, #tpu.memory_space<hbm>> -> memref<4x128xi32, #tpu.memory_space<hbm>>
      tpu.wait_dma2 semaphore(%run_scoped3A : memref<!tpu.dma_semaphore, #tpu.memory_space<semaphore_mem>>) src(%dma_wait3A_303 : memref<4x128xi32, #tpu.memory_space<hbm>>) dst(%arg9 : memref<4x128xi32, #tpu.memory_space<vmem>>)
      tpu.yield
    }) : () -> ()
    "tpu.region"() ({
      %run_scoped3A = tpu.sem_alloc : memref<!tpu.dma_semaphore, #tpu.memory_space<semaphore_mem>>
      %dma_start3A_296 = arith.constant 0 : i32
      %dma_start3A_297 = tpu.memref_slice %arg3[%mul3A_2, %dma_start3A_296] : memref<128x128xi32, #tpu.memory_space<hbm>> -> memref<4x128xi32, #tpu.memory_space<hbm>>
      %dma_start3A_298 = arith.constant 0 : i32
      %dma_start3A_299 = tpu.memref_slice %arg3[%mul3A_2, %dma_start3A_298] : memref<128x128xi32, #tpu.memory_space<hbm>> -> memref<4x128xi32, #tpu.memory_space<hbm>>
      tpu.enqueue_dma source(%dma_start3A_299 : memref<4x128xi32, #tpu.memory_space<hbm>>) target(%arg10 : memref<4x128xi32, #tpu.memory_space<vmem>>) target_semaphore(%run_scoped3A : memref<!tpu.dma_semaphore, #tpu.memory_space<semaphore_mem>>)
      %dma_wait3A_300 = arith.constant 0 : i32
      %dma_wait3A_301 = tpu.memref_slice %arg3[%mul3A_2, %dma_wait3A_300] : memref<128x128xi32, #tpu.memory_space<hbm>> -> memref<4x128xi32, #tpu.memory_space<hbm>>
      %dma_wait3A_302 = arith.constant 0 : i32
      %dma_wait3A_303 = tpu.memref_slice %arg3[%mul3A_2, %dma_wait3A_302] : memref<128x128xi32, #tpu.memory_space<hbm>> -> memref<4x128xi32, #tpu.memory_space<hbm>>
      tpu.wait_dma2 semaphore(%run_scoped3A : memref<!tpu.dma_semaphore, #tpu.memory_space<semaphore_mem>>) src(%dma_wait3A_303 : memref<4x128xi32, #tpu.memory_space<hbm>>) dst(%arg10 : memref<4x128xi32, #tpu.memory_space<vmem>>)
      tpu.yield
    }) : () -> ()
    %dma_start3A = arith.constant 0 : i32
    %dma_start3A_5 = arith.constant 0 : i32
    %dma_start3A_6 = arith.constant 0 : i32
    %dma_start3A_7 = tpu.memref_slice %arg11[%dma_start3A_5, %dma_start3A_6] : memref<512x64xf32, #tpu.memory_space<vmem>> -> memref<128x64xf32, #tpu.memory_space<vmem>>
    %dma_start3A_8 = arith.constant 0 : i32
    %dma_start3A_9 = tpu.memref_slice %arg9[%dma_start3A, %dma_start3A_8] : memref<4x128xi32, #tpu.memory_space<vmem>> -> memref<1x128xi32, #tpu.memory_space<vmem>>
    %dma_start3A_10 = tpu.memref_squeeze %dma_start3A_9 : memref<1x128xi32, #tpu.memory_space<vmem>> -> memref<128xi32, #tpu.memory_space<vmem>>
    %dma_start3A_11 = arith.constant 0 : i32
    %dma_start3A_12 = arith.constant 0 : i32
    %dma_start3A_13 = tpu.memref_slice %arg4[%dma_start3A_11, %dma_start3A_12] : memref<100000x64xf32, #tpu.memory_space<hbm>> -> memref<100000x64xf32, #tpu.memory_space<hbm>>
    tpu.enqueue_indirect_dma source(%dma_start3A_13 : memref<100000x64xf32, #tpu.memory_space<hbm>>) target(%dma_start3A_7 : memref<128x64xf32, #tpu.memory_space<vmem>>) offsets(%dma_start3A_10 : memref<128xi32, #tpu.memory_space<vmem>>) semaphore(%arg16 : memref<!tpu.dma_semaphore, #tpu.memory_space<semaphore_mem>>)
    %dma_start3A_14 = arith.constant 0 : i32
    %dma_start3A_15 = arith.constant 0 : i32
    %dma_start3A_16 = arith.constant 0 : i32
    %dma_start3A_17 = tpu.memref_slice %arg12[%dma_start3A_15, %dma_start3A_16] : memref<512x64xf32, #tpu.memory_space<vmem>> -> memref<128x64xf32, #tpu.memory_space<vmem>>
    %dma_start3A_18 = arith.constant 0 : i32
    %dma_start3A_19 = tpu.memref_slice %arg10[%dma_start3A_14, %dma_start3A_18] : memref<4x128xi32, #tpu.memory_space<vmem>> -> memref<1x128xi32, #tpu.memory_space<vmem>>
    %dma_start3A_20 = tpu.memref_squeeze %dma_start3A_19 : memref<1x128xi32, #tpu.memory_space<vmem>> -> memref<128xi32, #tpu.memory_space<vmem>>
    %dma_start3A_21 = arith.constant 0 : i32
    %dma_start3A_22 = arith.constant 0 : i32
    %dma_start3A_23 = tpu.memref_slice %arg6[%dma_start3A_21, %dma_start3A_22] : memref<100000x64xf32, #tpu.memory_space<hbm>> -> memref<100000x64xf32, #tpu.memory_space<hbm>>
    tpu.enqueue_indirect_dma source(%dma_start3A_23 : memref<100000x64xf32, #tpu.memory_space<hbm>>) target(%dma_start3A_17 : memref<128x64xf32, #tpu.memory_space<vmem>>) offsets(%dma_start3A_20 : memref<128xi32, #tpu.memory_space<vmem>>) semaphore(%arg16 : memref<!tpu.dma_semaphore, #tpu.memory_space<semaphore_mem>>)
    %dma_start3A_24 = arith.constant 0 : i32
    %dma_start3A_25 = arith.constant 0 : i32
    %dma_start3A_26 = tpu.memref_slice %arg13[%dma_start3A_25] : memref<512xf32, #tpu.memory_space<vmem>> -> memref<128xf32, #tpu.memory_space<vmem>>
    %dma_start3A_27 = arith.constant 0 : i32
    %dma_start3A_28 = tpu.memref_slice %arg9[%dma_start3A_24, %dma_start3A_27] : memref<4x128xi32, #tpu.memory_space<vmem>> -> memref<1x128xi32, #tpu.memory_space<vmem>>
    %dma_start3A_29 = tpu.memref_squeeze %dma_start3A_28 : memref<1x128xi32, #tpu.memory_space<vmem>> -> memref<128xi32, #tpu.memory_space<vmem>>
    %dma_start3A_30 = arith.constant 0 : i32
    %dma_start3A_31 = tpu.memref_slice %arg5[%dma_start3A_30] : memref<100000xf32, #tpu.memory_space<hbm>> -> memref<100000xf32, #tpu.memory_space<hbm>>
    tpu.enqueue_indirect_dma source(%dma_start3A_31 : memref<100000xf32, #tpu.memory_space<hbm>>) target(%dma_start3A_26 : memref<128xf32, #tpu.memory_space<vmem>>) offsets(%dma_start3A_29 : memref<128xi32, #tpu.memory_space<vmem>>) semaphore(%arg16 : memref<!tpu.dma_semaphore, #tpu.memory_space<semaphore_mem>>)
    %dma_start3A_32 = arith.constant 0 : i32
    %dma_start3A_33 = arith.constant 0 : i32
    %dma_start3A_34 = tpu.memref_slice %arg14[%dma_start3A_33] : memref<512xf32, #tpu.memory_space<vmem>> -> memref<128xf32, #tpu.memory_space<vmem>>
    %dma_start3A_35 = arith.constant 0 : i32
    %dma_start3A_36 = tpu.memref_slice %arg10[%dma_start3A_32, %dma_start3A_35] : memref<4x128xi32, #tpu.memory_space<vmem>> -> memref<1x128xi32, #tpu.memory_space<vmem>>
    %dma_start3A_37 = tpu.memref_squeeze %dma_start3A_36 : memref<1x128xi32, #tpu.memory_space<vmem>> -> memref<128xi32, #tpu.memory_space<vmem>>
    %dma_start3A_38 = arith.constant 0 : i32
    %dma_start3A_39 = tpu.memref_slice %arg7[%dma_start3A_38] : memref<100000xf32, #tpu.memory_space<hbm>> -> memref<100000xf32, #tpu.memory_space<hbm>>
    tpu.enqueue_indirect_dma source(%dma_start3A_39 : memref<100000xf32, #tpu.memory_space<hbm>>) target(%dma_start3A_34 : memref<128xf32, #tpu.memory_space<vmem>>) offsets(%dma_start3A_37 : memref<128xi32, #tpu.memory_space<vmem>>) semaphore(%arg16 : memref<!tpu.dma_semaphore, #tpu.memory_space<semaphore_mem>>)
    %dma_start3A_40 = arith.constant 1 : i32
    %dma_start3A_41 = arith.constant 128 : i32
    %dma_start3A_42 = arith.constant 0 : i32
    %dma_start3A_43 = tpu.memref_slice %arg11[%dma_start3A_41, %dma_start3A_42] : memref<512x64xf32, #tpu.memory_space<vmem>> -> memref<128x64xf32, #tpu.memory_space<vmem>>
    %dma_start3A_44 = arith.constant 0 : i32
    %dma_start3A_45 = tpu.memref_slice %arg9[%dma_start3A_40, %dma_start3A_44] : memref<4x128xi32, #tpu.memory_space<vmem>> -> memref<1x128xi32, #tpu.memory_space<vmem>>
    %dma_start3A_46 = tpu.memref_squeeze %dma_start3A_45 : memref<1x128xi32, #tpu.memory_space<vmem>> -> memref<128xi32, #tpu.memory_space<vmem>>
    %dma_start3A_47 = arith.constant 0 : i32
    %dma_start3A_48 = arith.constant 0 : i32
    %dma_start3A_49 = tpu.memref_slice %arg4[%dma_start3A_47, %dma_start3A_48] : memref<100000x64xf32, #tpu.memory_space<hbm>> -> memref<100000x64xf32, #tpu.memory_space<hbm>>
    tpu.enqueue_indirect_dma source(%dma_start3A_49 : memref<100000x64xf32, #tpu.memory_space<hbm>>) target(%dma_start3A_43 : memref<128x64xf32, #tpu.memory_space<vmem>>) offsets(%dma_start3A_46 : memref<128xi32, #tpu.memory_space<vmem>>) semaphore(%arg16 : memref<!tpu.dma_semaphore, #tpu.memory_space<semaphore_mem>>)
    %dma_start3A_50 = arith.constant 1 : i32
    %dma_start3A_51 = arith.constant 128 : i32
    %dma_start3A_52 = arith.constant 0 : i32
    %dma_start3A_53 = tpu.memref_slice %arg12[%dma_start3A_51, %dma_start3A_52] : memref<512x64xf32, #tpu.memory_space<vmem>> -> memref<128x64xf32, #tpu.memory_space<vmem>>
    %dma_start3A_54 = arith.constant 0 : i32
    %dma_start3A_55 = tpu.memref_slice %arg10[%dma_start3A_50, %dma_start3A_54] : memref<4x128xi32, #tpu.memory_space<vmem>> -> memref<1x128xi32, #tpu.memory_space<vmem>>
    %dma_start3A_56 = tpu.memref_squeeze %dma_start3A_55 : memref<1x128xi32, #tpu.memory_space<vmem>> -> memref<128xi32, #tpu.memory_space<vmem>>
    %dma_start3A_57 = arith.constant 0 : i32
    %dma_start3A_58 = arith.constant 0 : i32
    %dma_start3A_59 = tpu.memref_slice %arg6[%dma_start3A_57, %dma_start3A_58] : memref<100000x64xf32, #tpu.memory_space<hbm>> -> memref<100000x64xf32, #tpu.memory_space<hbm>>
    tpu.enqueue_indirect_dma source(%dma_start3A_59 : memref<100000x64xf32, #tpu.memory_space<hbm>>) target(%dma_start3A_53 : memref<128x64xf32, #tpu.memory_space<vmem>>) offsets(%dma_start3A_56 : memref<128xi32, #tpu.memory_space<vmem>>) semaphore(%arg16 : memref<!tpu.dma_semaphore, #tpu.memory_space<semaphore_mem>>)
    %dma_start3A_60 = arith.constant 1 : i32
    %dma_start3A_61 = arith.constant 128 : i32
    %dma_start3A_62 = tpu.memref_slice %arg13[%dma_start3A_61] : memref<512xf32, #tpu.memory_space<vmem>> -> memref<128xf32, #tpu.memory_space<vmem>>
    %dma_start3A_63 = arith.constant 0 : i32
    %dma_start3A_64 = tpu.memref_slice %arg9[%dma_start3A_60, %dma_start3A_63] : memref<4x128xi32, #tpu.memory_space<vmem>> -> memref<1x128xi32, #tpu.memory_space<vmem>>
    %dma_start3A_65 = tpu.memref_squeeze %dma_start3A_64 : memref<1x128xi32, #tpu.memory_space<vmem>> -> memref<128xi32, #tpu.memory_space<vmem>>
    %dma_start3A_66 = arith.constant 0 : i32
    %dma_start3A_67 = tpu.memref_slice %arg5[%dma_start3A_66] : memref<100000xf32, #tpu.memory_space<hbm>> -> memref<100000xf32, #tpu.memory_space<hbm>>
    tpu.enqueue_indirect_dma source(%dma_start3A_67 : memref<100000xf32, #tpu.memory_space<hbm>>) target(%dma_start3A_62 : memref<128xf32, #tpu.memory_space<vmem>>) offsets(%dma_start3A_65 : memref<128xi32, #tpu.memory_space<vmem>>) semaphore(%arg16 : memref<!tpu.dma_semaphore, #tpu.memory_space<semaphore_mem>>)
    %dma_start3A_68 = arith.constant 1 : i32
    %dma_start3A_69 = arith.constant 128 : i32
    %dma_start3A_70 = tpu.memref_slice %arg14[%dma_start3A_69] : memref<512xf32, #tpu.memory_space<vmem>> -> memref<128xf32, #tpu.memory_space<vmem>>
    %dma_start3A_71 = arith.constant 0 : i32
    %dma_start3A_72 = tpu.memref_slice %arg10[%dma_start3A_68, %dma_start3A_71] : memref<4x128xi32, #tpu.memory_space<vmem>> -> memref<1x128xi32, #tpu.memory_space<vmem>>
    %dma_start3A_73 = tpu.memref_squeeze %dma_start3A_72 : memref<1x128xi32, #tpu.memory_space<vmem>> -> memref<128xi32, #tpu.memory_space<vmem>>
    %dma_start3A_74 = arith.constant 0 : i32
    %dma_start3A_75 = tpu.memref_slice %arg7[%dma_start3A_74] : memref<100000xf32, #tpu.memory_space<hbm>> -> memref<100000xf32, #tpu.memory_space<hbm>>
    tpu.enqueue_indirect_dma source(%dma_start3A_75 : memref<100000xf32, #tpu.memory_space<hbm>>) target(%dma_start3A_70 : memref<128xf32, #tpu.memory_space<vmem>>) offsets(%dma_start3A_73 : memref<128xi32, #tpu.memory_space<vmem>>) semaphore(%arg16 : memref<!tpu.dma_semaphore, #tpu.memory_space<semaphore_mem>>)
    %dma_start3A_76 = arith.constant 2 : i32
    %dma_start3A_77 = arith.constant 256 : i32
    %dma_start3A_78 = arith.constant 0 : i32
    %dma_start3A_79 = tpu.memref_slice %arg11[%dma_start3A_77, %dma_start3A_78] : memref<512x64xf32, #tpu.memory_space<vmem>> -> memref<128x64xf32, #tpu.memory_space<vmem>>
    %dma_start3A_80 = arith.constant 0 : i32
    %dma_start3A_81 = tpu.memref_slice %arg9[%dma_start3A_76, %dma_start3A_80] : memref<4x128xi32, #tpu.memory_space<vmem>> -> memref<1x128xi32, #tpu.memory_space<vmem>>
    %dma_start3A_82 = tpu.memref_squeeze %dma_start3A_81 : memref<1x128xi32, #tpu.memory_space<vmem>> -> memref<128xi32, #tpu.memory_space<vmem>>
    %dma_start3A_83 = arith.constant 0 : i32
    %dma_start3A_84 = arith.constant 0 : i32
    %dma_start3A_85 = tpu.memref_slice %arg4[%dma_start3A_83, %dma_start3A_84] : memref<100000x64xf32, #tpu.memory_space<hbm>> -> memref<100000x64xf32, #tpu.memory_space<hbm>>
    tpu.enqueue_indirect_dma source(%dma_start3A_85 : memref<100000x64xf32, #tpu.memory_space<hbm>>) target(%dma_start3A_79 : memref<128x64xf32, #tpu.memory_space<vmem>>) offsets(%dma_start3A_82 : memref<128xi32, #tpu.memory_space<vmem>>) semaphore(%arg16 : memref<!tpu.dma_semaphore, #tpu.memory_space<semaphore_mem>>)
    %dma_start3A_86 = arith.constant 2 : i32
    %dma_start3A_87 = arith.constant 256 : i32
    %dma_start3A_88 = arith.constant 0 : i32
    %dma_start3A_89 = tpu.memref_slice %arg12[%dma_start3A_87, %dma_start3A_88] : memref<512x64xf32, #tpu.memory_space<vmem>> -> memref<128x64xf32, #tpu.memory_space<vmem>>
    %dma_start3A_90 = arith.constant 0 : i32
    %dma_start3A_91 = tpu.memref_slice %arg10[%dma_start3A_86, %dma_start3A_90] : memref<4x128xi32, #tpu.memory_space<vmem>> -> memref<1x128xi32, #tpu.memory_space<vmem>>
    %dma_start3A_92 = tpu.memref_squeeze %dma_start3A_91 : memref<1x128xi32, #tpu.memory_space<vmem>> -> memref<128xi32, #tpu.memory_space<vmem>>
    %dma_start3A_93 = arith.constant 0 : i32
    %dma_start3A_94 = arith.constant 0 : i32
    %dma_start3A_95 = tpu.memref_slice %arg6[%dma_start3A_93, %dma_start3A_94] : memref<100000x64xf32, #tpu.memory_space<hbm>> -> memref<100000x64xf32, #tpu.memory_space<hbm>>
    tpu.enqueue_indirect_dma source(%dma_start3A_95 : memref<100000x64xf32, #tpu.memory_space<hbm>>) target(%dma_start3A_89 : memref<128x64xf32, #tpu.memory_space<vmem>>) offsets(%dma_start3A_92 : memref<128xi32, #tpu.memory_space<vmem>>) semaphore(%arg16 : memref<!tpu.dma_semaphore, #tpu.memory_space<semaphore_mem>>)
    %dma_start3A_96 = arith.constant 2 : i32
    %dma_start3A_97 = arith.constant 256 : i32
    %dma_start3A_98 = tpu.memref_slice %arg13[%dma_start3A_97] : memref<512xf32, #tpu.memory_space<vmem>> -> memref<128xf32, #tpu.memory_space<vmem>>
    %dma_start3A_99 = arith.constant 0 : i32
    %dma_start3A_100 = tpu.memref_slice %arg9[%dma_start3A_96, %dma_start3A_99] : memref<4x128xi32, #tpu.memory_space<vmem>> -> memref<1x128xi32, #tpu.memory_space<vmem>>
    %dma_start3A_101 = tpu.memref_squeeze %dma_start3A_100 : memref<1x128xi32, #tpu.memory_space<vmem>> -> memref<128xi32, #tpu.memory_space<vmem>>
    %dma_start3A_102 = arith.constant 0 : i32
    %dma_start3A_103 = tpu.memref_slice %arg5[%dma_start3A_102] : memref<100000xf32, #tpu.memory_space<hbm>> -> memref<100000xf32, #tpu.memory_space<hbm>>
    tpu.enqueue_indirect_dma source(%dma_start3A_103 : memref<100000xf32, #tpu.memory_space<hbm>>) target(%dma_start3A_98 : memref<128xf32, #tpu.memory_space<vmem>>) offsets(%dma_start3A_101 : memref<128xi32, #tpu.memory_space<vmem>>) semaphore(%arg16 : memref<!tpu.dma_semaphore, #tpu.memory_space<semaphore_mem>>)
    %dma_start3A_104 = arith.constant 2 : i32
    %dma_start3A_105 = arith.constant 256 : i32
    %dma_start3A_106 = tpu.memref_slice %arg14[%dma_start3A_105] : memref<512xf32, #tpu.memory_space<vmem>> -> memref<128xf32, #tpu.memory_space<vmem>>
    %dma_start3A_107 = arith.constant 0 : i32
    %dma_start3A_108 = tpu.memref_slice %arg10[%dma_start3A_104, %dma_start3A_107] : memref<4x128xi32, #tpu.memory_space<vmem>> -> memref<1x128xi32, #tpu.memory_space<vmem>>
    %dma_start3A_109 = tpu.memref_squeeze %dma_start3A_108 : memref<1x128xi32, #tpu.memory_space<vmem>> -> memref<128xi32, #tpu.memory_space<vmem>>
    %dma_start3A_110 = arith.constant 0 : i32
    %dma_start3A_111 = tpu.memref_slice %arg7[%dma_start3A_110] : memref<100000xf32, #tpu.memory_space<hbm>> -> memref<100000xf32, #tpu.memory_space<hbm>>
    tpu.enqueue_indirect_dma source(%dma_start3A_111 : memref<100000xf32, #tpu.memory_space<hbm>>) target(%dma_start3A_106 : memref<128xf32, #tpu.memory_space<vmem>>) offsets(%dma_start3A_109 : memref<128xi32, #tpu.memory_space<vmem>>) semaphore(%arg16 : memref<!tpu.dma_semaphore, #tpu.memory_space<semaphore_mem>>)
    %dma_start3A_112 = arith.constant 3 : i32
    %dma_start3A_113 = arith.constant 384 : i32
    %dma_start3A_114 = arith.constant 0 : i32
    %dma_start3A_115 = tpu.memref_slice %arg11[%dma_start3A_113, %dma_start3A_114] : memref<512x64xf32, #tpu.memory_space<vmem>> -> memref<128x64xf32, #tpu.memory_space<vmem>>
    %dma_start3A_116 = arith.constant 0 : i32
    %dma_start3A_117 = tpu.memref_slice %arg9[%dma_start3A_112, %dma_start3A_116] : memref<4x128xi32, #tpu.memory_space<vmem>> -> memref<1x128xi32, #tpu.memory_space<vmem>>
    %dma_start3A_118 = tpu.memref_squeeze %dma_start3A_117 : memref<1x128xi32, #tpu.memory_space<vmem>> -> memref<128xi32, #tpu.memory_space<vmem>>
    %dma_start3A_119 = arith.constant 0 : i32
    %dma_start3A_120 = arith.constant 0 : i32
    %dma_start3A_121 = tpu.memref_slice %arg4[%dma_start3A_119, %dma_start3A_120] : memref<100000x64xf32, #tpu.memory_space<hbm>> -> memref<100000x64xf32, #tpu.memory_space<hbm>>
    tpu.enqueue_indirect_dma source(%dma_start3A_121 : memref<100000x64xf32, #tpu.memory_space<hbm>>) target(%dma_start3A_115 : memref<128x64xf32, #tpu.memory_space<vmem>>) offsets(%dma_start3A_118 : memref<128xi32, #tpu.memory_space<vmem>>) semaphore(%arg16 : memref<!tpu.dma_semaphore, #tpu.memory_space<semaphore_mem>>)
    %dma_start3A_122 = arith.constant 3 : i32
    %dma_start3A_123 = arith.constant 384 : i32
    %dma_start3A_124 = arith.constant 0 : i32
    %dma_start3A_125 = tpu.memref_slice %arg12[%dma_start3A_123, %dma_start3A_124] : memref<512x64xf32, #tpu.memory_space<vmem>> -> memref<128x64xf32, #tpu.memory_space<vmem>>
    %dma_start3A_126 = arith.constant 0 : i32
    %dma_start3A_127 = tpu.memref_slice %arg10[%dma_start3A_122, %dma_start3A_126] : memref<4x128xi32, #tpu.memory_space<vmem>> -> memref<1x128xi32, #tpu.memory_space<vmem>>
    %dma_start3A_128 = tpu.memref_squeeze %dma_start3A_127 : memref<1x128xi32, #tpu.memory_space<vmem>> -> memref<128xi32, #tpu.memory_space<vmem>>
    %dma_start3A_129 = arith.constant 0 : i32
    %dma_start3A_130 = arith.constant 0 : i32
    %dma_start3A_131 = tpu.memref_slice %arg6[%dma_start3A_129, %dma_start3A_130] : memref<100000x64xf32, #tpu.memory_space<hbm>> -> memref<100000x64xf32, #tpu.memory_space<hbm>>
    tpu.enqueue_indirect_dma source(%dma_start3A_131 : memref<100000x64xf32, #tpu.memory_space<hbm>>) target(%dma_start3A_125 : memref<128x64xf32, #tpu.memory_space<vmem>>) offsets(%dma_start3A_128 : memref<128xi32, #tpu.memory_space<vmem>>) semaphore(%arg16 : memref<!tpu.dma_semaphore, #tpu.memory_space<semaphore_mem>>)
    %dma_start3A_132 = arith.constant 3 : i32
    %dma_start3A_133 = arith.constant 384 : i32
    %dma_start3A_134 = tpu.memref_slice %arg13[%dma_start3A_133] : memref<512xf32, #tpu.memory_space<vmem>> -> memref<128xf32, #tpu.memory_space<vmem>>
    %dma_start3A_135 = arith.constant 0 : i32
    %dma_start3A_136 = tpu.memref_slice %arg9[%dma_start3A_132, %dma_start3A_135] : memref<4x128xi32, #tpu.memory_space<vmem>> -> memref<1x128xi32, #tpu.memory_space<vmem>>
    %dma_start3A_137 = tpu.memref_squeeze %dma_start3A_136 : memref<1x128xi32, #tpu.memory_space<vmem>> -> memref<128xi32, #tpu.memory_space<vmem>>
    %dma_start3A_138 = arith.constant 0 : i32
    %dma_start3A_139 = tpu.memref_slice %arg5[%dma_start3A_138] : memref<100000xf32, #tpu.memory_space<hbm>> -> memref<100000xf32, #tpu.memory_space<hbm>>
    tpu.enqueue_indirect_dma source(%dma_start3A_139 : memref<100000xf32, #tpu.memory_space<hbm>>) target(%dma_start3A_134 : memref<128xf32, #tpu.memory_space<vmem>>) offsets(%dma_start3A_137 : memref<128xi32, #tpu.memory_space<vmem>>) semaphore(%arg16 : memref<!tpu.dma_semaphore, #tpu.memory_space<semaphore_mem>>)
    %dma_start3A_140 = arith.constant 3 : i32
    %dma_start3A_141 = arith.constant 384 : i32
    %dma_start3A_142 = tpu.memref_slice %arg14[%dma_start3A_141] : memref<512xf32, #tpu.memory_space<vmem>> -> memref<128xf32, #tpu.memory_space<vmem>>
    %dma_start3A_143 = arith.constant 0 : i32
    %dma_start3A_144 = tpu.memref_slice %arg10[%dma_start3A_140, %dma_start3A_143] : memref<4x128xi32, #tpu.memory_space<vmem>> -> memref<1x128xi32, #tpu.memory_space<vmem>>
    %dma_start3A_145 = tpu.memref_squeeze %dma_start3A_144 : memref<1x128xi32, #tpu.memory_space<vmem>> -> memref<128xi32, #tpu.memory_space<vmem>>
    %dma_start3A_146 = arith.constant 0 : i32
    %dma_start3A_147 = tpu.memref_slice %arg7[%dma_start3A_146] : memref<100000xf32, #tpu.memory_space<hbm>> -> memref<100000xf32, #tpu.memory_space<hbm>>
    tpu.enqueue_indirect_dma source(%dma_start3A_147 : memref<100000xf32, #tpu.memory_space<hbm>>) target(%dma_start3A_142 : memref<128xf32, #tpu.memory_space<vmem>>) offsets(%dma_start3A_145 : memref<128xi32, #tpu.memory_space<vmem>>) semaphore(%arg16 : memref<!tpu.dma_semaphore, #tpu.memory_space<semaphore_mem>>)
    %dma_wait3A = arith.constant 0 : i32
    %dma_wait3A_148 = arith.constant 0 : i32
    %dma_wait3A_149 = arith.constant 0 : i32
    %dma_wait3A_150 = tpu.memref_slice %arg11[%dma_wait3A_148, %dma_wait3A_149] : memref<512x64xf32, #tpu.memory_space<vmem>> -> memref<128x64xf32, #tpu.memory_space<vmem>>
    %dma_wait3A_151 = arith.constant 0 : i32
    %dma_wait3A_152 = tpu.memref_slice %arg9[%dma_wait3A, %dma_wait3A_151] : memref<4x128xi32, #tpu.memory_space<vmem>> -> memref<1x128xi32, #tpu.memory_space<vmem>>
    %dma_wait3A_153 = tpu.memref_squeeze %dma_wait3A_152 : memref<1x128xi32, #tpu.memory_space<vmem>> -> memref<128xi32, #tpu.memory_space<vmem>>
    %dma_wait3A_154 = arith.constant 0 : i32
    %dma_wait3A_155 = arith.constant 0 : i32
    %dma_wait3A_156 = tpu.memref_slice %arg4[%dma_wait3A_154, %dma_wait3A_155] : memref<100000x64xf32, #tpu.memory_space<hbm>> -> memref<100000x64xf32, #tpu.memory_space<hbm>>
    tpu.wait_indirect_dma semaphore(%arg16 : memref<!tpu.dma_semaphore, #tpu.memory_space<semaphore_mem>>) src(%dma_wait3A_156 : memref<100000x64xf32, #tpu.memory_space<hbm>>) dst(%dma_wait3A_150 : memref<128x64xf32, #tpu.memory_space<vmem>>)
    %dma_wait3A_157 = arith.constant 0 : i32
    %dma_wait3A_158 = arith.constant 0 : i32
    %dma_wait3A_159 = arith.constant 0 : i32
    %dma_wait3A_160 = tpu.memref_slice %arg12[%dma_wait3A_158, %dma_wait3A_159] : memref<512x64xf32, #tpu.memory_space<vmem>> -> memref<128x64xf32, #tpu.memory_space<vmem>>
    %dma_wait3A_161 = arith.constant 0 : i32
    %dma_wait3A_162 = tpu.memref_slice %arg10[%dma_wait3A_157, %dma_wait3A_161] : memref<4x128xi32, #tpu.memory_space<vmem>> -> memref<1x128xi32, #tpu.memory_space<vmem>>
    %dma_wait3A_163 = tpu.memref_squeeze %dma_wait3A_162 : memref<1x128xi32, #tpu.memory_space<vmem>> -> memref<128xi32, #tpu.memory_space<vmem>>
    %dma_wait3A_164 = arith.constant 0 : i32
    %dma_wait3A_165 = arith.constant 0 : i32
    %dma_wait3A_166 = tpu.memref_slice %arg6[%dma_wait3A_164, %dma_wait3A_165] : memref<100000x64xf32, #tpu.memory_space<hbm>> -> memref<100000x64xf32, #tpu.memory_space<hbm>>
    tpu.wait_indirect_dma semaphore(%arg16 : memref<!tpu.dma_semaphore, #tpu.memory_space<semaphore_mem>>) src(%dma_wait3A_166 : memref<100000x64xf32, #tpu.memory_space<hbm>>) dst(%dma_wait3A_160 : memref<128x64xf32, #tpu.memory_space<vmem>>)
    %dma_wait3A_167 = arith.constant 0 : i32
    %dma_wait3A_168 = arith.constant 0 : i32
    %dma_wait3A_169 = tpu.memref_slice %arg13[%dma_wait3A_168] : memref<512xf32, #tpu.memory_space<vmem>> -> memref<128xf32, #tpu.memory_space<vmem>>
    %dma_wait3A_170 = arith.constant 0 : i32
    %dma_wait3A_171 = tpu.memref_slice %arg9[%dma_wait3A_167, %dma_wait3A_170] : memref<4x128xi32, #tpu.memory_space<vmem>> -> memref<1x128xi32, #tpu.memory_space<vmem>>
    %dma_wait3A_172 = tpu.memref_squeeze %dma_wait3A_171 : memref<1x128xi32, #tpu.memory_space<vmem>> -> memref<128xi32, #tpu.memory_space<vmem>>
    %dma_wait3A_173 = arith.constant 0 : i32
    %dma_wait3A_174 = tpu.memref_slice %arg5[%dma_wait3A_173] : memref<100000xf32, #tpu.memory_space<hbm>> -> memref<100000xf32, #tpu.memory_space<hbm>>
    tpu.wait_indirect_dma semaphore(%arg16 : memref<!tpu.dma_semaphore, #tpu.memory_space<semaphore_mem>>) src(%dma_wait3A_174 : memref<100000xf32, #tpu.memory_space<hbm>>) dst(%dma_wait3A_169 : memref<128xf32, #tpu.memory_space<vmem>>)
    %dma_wait3A_175 = arith.constant 0 : i32
    %dma_wait3A_176 = arith.constant 0 : i32
    %dma_wait3A_177 = tpu.memref_slice %arg14[%dma_wait3A_176] : memref<512xf32, #tpu.memory_space<vmem>> -> memref<128xf32, #tpu.memory_space<vmem>>
    %dma_wait3A_178 = arith.constant 0 : i32
    %dma_wait3A_179 = tpu.memref_slice %arg10[%dma_wait3A_175, %dma_wait3A_178] : memref<4x128xi32, #tpu.memory_space<vmem>> -> memref<1x128xi32, #tpu.memory_space<vmem>>
    %dma_wait3A_180 = tpu.memref_squeeze %dma_wait3A_179 : memref<1x128xi32, #tpu.memory_space<vmem>> -> memref<128xi32, #tpu.memory_space<vmem>>
    %dma_wait3A_181 = arith.constant 0 : i32
    %dma_wait3A_182 = tpu.memref_slice %arg7[%dma_wait3A_181] : memref<100000xf32, #tpu.memory_space<hbm>> -> memref<100000xf32, #tpu.memory_space<hbm>>
    tpu.wait_indirect_dma semaphore(%arg16 : memref<!tpu.dma_semaphore, #tpu.memory_space<semaphore_mem>>) src(%dma_wait3A_182 : memref<100000xf32, #tpu.memory_space<hbm>>) dst(%dma_wait3A_177 : memref<128xf32, #tpu.memory_space<vmem>>)
    %dma_wait3A_183 = arith.constant 1 : i32
    %dma_wait3A_184 = arith.constant 128 : i32
    %dma_wait3A_185 = arith.constant 0 : i32
    %dma_wait3A_186 = tpu.memref_slice %arg11[%dma_wait3A_184, %dma_wait3A_185] : memref<512x64xf32, #tpu.memory_space<vmem>> -> memref<128x64xf32, #tpu.memory_space<vmem>>
    %dma_wait3A_187 = arith.constant 0 : i32
    %dma_wait3A_188 = tpu.memref_slice %arg9[%dma_wait3A_183, %dma_wait3A_187] : memref<4x128xi32, #tpu.memory_space<vmem>> -> memref<1x128xi32, #tpu.memory_space<vmem>>
    %dma_wait3A_189 = tpu.memref_squeeze %dma_wait3A_188 : memref<1x128xi32, #tpu.memory_space<vmem>> -> memref<128xi32, #tpu.memory_space<vmem>>
    %dma_wait3A_190 = arith.constant 0 : i32
    %dma_wait3A_191 = arith.constant 0 : i32
    %dma_wait3A_192 = tpu.memref_slice %arg4[%dma_wait3A_190, %dma_wait3A_191] : memref<100000x64xf32, #tpu.memory_space<hbm>> -> memref<100000x64xf32, #tpu.memory_space<hbm>>
    tpu.wait_indirect_dma semaphore(%arg16 : memref<!tpu.dma_semaphore, #tpu.memory_space<semaphore_mem>>) src(%dma_wait3A_192 : memref<100000x64xf32, #tpu.memory_space<hbm>>) dst(%dma_wait3A_186 : memref<128x64xf32, #tpu.memory_space<vmem>>)
    %dma_wait3A_193 = arith.constant 1 : i32
    %dma_wait3A_194 = arith.constant 128 : i32
    %dma_wait3A_195 = arith.constant 0 : i32
    %dma_wait3A_196 = tpu.memref_slice %arg12[%dma_wait3A_194, %dma_wait3A_195] : memref<512x64xf32, #tpu.memory_space<vmem>> -> memref<128x64xf32, #tpu.memory_space<vmem>>
    %dma_wait3A_197 = arith.constant 0 : i32
    %dma_wait3A_198 = tpu.memref_slice %arg10[%dma_wait3A_193, %dma_wait3A_197] : memref<4x128xi32, #tpu.memory_space<vmem>> -> memref<1x128xi32, #tpu.memory_space<vmem>>
    %dma_wait3A_199 = tpu.memref_squeeze %dma_wait3A_198 : memref<1x128xi32, #tpu.memory_space<vmem>> -> memref<128xi32, #tpu.memory_space<vmem>>
    %dma_wait3A_200 = arith.constant 0 : i32
    %dma_wait3A_201 = arith.constant 0 : i32
    %dma_wait3A_202 = tpu.memref_slice %arg6[%dma_wait3A_200, %dma_wait3A_201] : memref<100000x64xf32, #tpu.memory_space<hbm>> -> memref<100000x64xf32, #tpu.memory_space<hbm>>
    tpu.wait_indirect_dma semaphore(%arg16 : memref<!tpu.dma_semaphore, #tpu.memory_space<semaphore_mem>>) src(%dma_wait3A_202 : memref<100000x64xf32, #tpu.memory_space<hbm>>) dst(%dma_wait3A_196 : memref<128x64xf32, #tpu.memory_space<vmem>>)
    %dma_wait3A_203 = arith.constant 1 : i32
    %dma_wait3A_204 = arith.constant 128 : i32
    %dma_wait3A_205 = tpu.memref_slice %arg13[%dma_wait3A_204] : memref<512xf32, #tpu.memory_space<vmem>> -> memref<128xf32, #tpu.memory_space<vmem>>
    %dma_wait3A_206 = arith.constant 0 : i32
    %dma_wait3A_207 = tpu.memref_slice %arg9[%dma_wait3A_203, %dma_wait3A_206] : memref<4x128xi32, #tpu.memory_space<vmem>> -> memref<1x128xi32, #tpu.memory_space<vmem>>
    %dma_wait3A_208 = tpu.memref_squeeze %dma_wait3A_207 : memref<1x128xi32, #tpu.memory_space<vmem>> -> memref<128xi32, #tpu.memory_space<vmem>>
    %dma_wait3A_209 = arith.constant 0 : i32
    %dma_wait3A_210 = tpu.memref_slice %arg5[%dma_wait3A_209] : memref<100000xf32, #tpu.memory_space<hbm>> -> memref<100000xf32, #tpu.memory_space<hbm>>
    tpu.wait_indirect_dma semaphore(%arg16 : memref<!tpu.dma_semaphore, #tpu.memory_space<semaphore_mem>>) src(%dma_wait3A_210 : memref<100000xf32, #tpu.memory_space<hbm>>) dst(%dma_wait3A_205 : memref<128xf32, #tpu.memory_space<vmem>>)
    %dma_wait3A_211 = arith.constant 1 : i32
    %dma_wait3A_212 = arith.constant 128 : i32
    %dma_wait3A_213 = tpu.memref_slice %arg14[%dma_wait3A_212] : memref<512xf32, #tpu.memory_space<vmem>> -> memref<128xf32, #tpu.memory_space<vmem>>
    %dma_wait3A_214 = arith.constant 0 : i32
    %dma_wait3A_215 = tpu.memref_slice %arg10[%dma_wait3A_211, %dma_wait3A_214] : memref<4x128xi32, #tpu.memory_space<vmem>> -> memref<1x128xi32, #tpu.memory_space<vmem>>
    %dma_wait3A_216 = tpu.memref_squeeze %dma_wait3A_215 : memref<1x128xi32, #tpu.memory_space<vmem>> -> memref<128xi32, #tpu.memory_space<vmem>>
    %dma_wait3A_217 = arith.constant 0 : i32
    %dma_wait3A_218 = tpu.memref_slice %arg7[%dma_wait3A_217] : memref<100000xf32, #tpu.memory_space<hbm>> -> memref<100000xf32, #tpu.memory_space<hbm>>
    tpu.wait_indirect_dma semaphore(%arg16 : memref<!tpu.dma_semaphore, #tpu.memory_space<semaphore_mem>>) src(%dma_wait3A_218 : memref<100000xf32, #tpu.memory_space<hbm>>) dst(%dma_wait3A_213 : memref<128xf32, #tpu.memory_space<vmem>>)
    %dma_wait3A_219 = arith.constant 2 : i32
    %dma_wait3A_220 = arith.constant 256 : i32
    %dma_wait3A_221 = arith.constant 0 : i32
    %dma_wait3A_222 = tpu.memref_slice %arg11[%dma_wait3A_220, %dma_wait3A_221] : memref<512x64xf32, #tpu.memory_space<vmem>> -> memref<128x64xf32, #tpu.memory_space<vmem>>
    %dma_wait3A_223 = arith.constant 0 : i32
    %dma_wait3A_224 = tpu.memref_slice %arg9[%dma_wait3A_219, %dma_wait3A_223] : memref<4x128xi32, #tpu.memory_space<vmem>> -> memref<1x128xi32, #tpu.memory_space<vmem>>
    %dma_wait3A_225 = tpu.memref_squeeze %dma_wait3A_224 : memref<1x128xi32, #tpu.memory_space<vmem>> -> memref<128xi32, #tpu.memory_space<vmem>>
    %dma_wait3A_226 = arith.constant 0 : i32
    %dma_wait3A_227 = arith.constant 0 : i32
    %dma_wait3A_228 = tpu.memref_slice %arg4[%dma_wait3A_226, %dma_wait3A_227] : memref<100000x64xf32, #tpu.memory_space<hbm>> -> memref<100000x64xf32, #tpu.memory_space<hbm>>
    tpu.wait_indirect_dma semaphore(%arg16 : memref<!tpu.dma_semaphore, #tpu.memory_space<semaphore_mem>>) src(%dma_wait3A_228 : memref<100000x64xf32, #tpu.memory_space<hbm>>) dst(%dma_wait3A_222 : memref<128x64xf32, #tpu.memory_space<vmem>>)
    %dma_wait3A_229 = arith.constant 2 : i32
    %dma_wait3A_230 = arith.constant 256 : i32
    %dma_wait3A_231 = arith.constant 0 : i32
    %dma_wait3A_232 = tpu.memref_slice %arg12[%dma_wait3A_230, %dma_wait3A_231] : memref<512x64xf32, #tpu.memory_space<vmem>> -> memref<128x64xf32, #tpu.memory_space<vmem>>
    %dma_wait3A_233 = arith.constant 0 : i32
    %dma_wait3A_234 = tpu.memref_slice %arg10[%dma_wait3A_229, %dma_wait3A_233] : memref<4x128xi32, #tpu.memory_space<vmem>> -> memref<1x128xi32, #tpu.memory_space<vmem>>
    %dma_wait3A_235 = tpu.memref_squeeze %dma_wait3A_234 : memref<1x128xi32, #tpu.memory_space<vmem>> -> memref<128xi32, #tpu.memory_space<vmem>>
    %dma_wait3A_236 = arith.constant 0 : i32
    %dma_wait3A_237 = arith.constant 0 : i32
    %dma_wait3A_238 = tpu.memref_slice %arg6[%dma_wait3A_236, %dma_wait3A_237] : memref<100000x64xf32, #tpu.memory_space<hbm>> -> memref<100000x64xf32, #tpu.memory_space<hbm>>
    tpu.wait_indirect_dma semaphore(%arg16 : memref<!tpu.dma_semaphore, #tpu.memory_space<semaphore_mem>>) src(%dma_wait3A_238 : memref<100000x64xf32, #tpu.memory_space<hbm>>) dst(%dma_wait3A_232 : memref<128x64xf32, #tpu.memory_space<vmem>>)
    %dma_wait3A_239 = arith.constant 2 : i32
    %dma_wait3A_240 = arith.constant 256 : i32
    %dma_wait3A_241 = tpu.memref_slice %arg13[%dma_wait3A_240] : memref<512xf32, #tpu.memory_space<vmem>> -> memref<128xf32, #tpu.memory_space<vmem>>
    %dma_wait3A_242 = arith.constant 0 : i32
    %dma_wait3A_243 = tpu.memref_slice %arg9[%dma_wait3A_239, %dma_wait3A_242] : memref<4x128xi32, #tpu.memory_space<vmem>> -> memref<1x128xi32, #tpu.memory_space<vmem>>
    %dma_wait3A_244 = tpu.memref_squeeze %dma_wait3A_243 : memref<1x128xi32, #tpu.memory_space<vmem>> -> memref<128xi32, #tpu.memory_space<vmem>>
    %dma_wait3A_245 = arith.constant 0 : i32
    %dma_wait3A_246 = tpu.memref_slice %arg5[%dma_wait3A_245] : memref<100000xf32, #tpu.memory_space<hbm>> -> memref<100000xf32, #tpu.memory_space<hbm>>
    tpu.wait_indirect_dma semaphore(%arg16 : memref<!tpu.dma_semaphore, #tpu.memory_space<semaphore_mem>>) src(%dma_wait3A_246 : memref<100000xf32, #tpu.memory_space<hbm>>) dst(%dma_wait3A_241 : memref<128xf32, #tpu.memory_space<vmem>>)
    %dma_wait3A_247 = arith.constant 2 : i32
    %dma_wait3A_248 = arith.constant 256 : i32
    %dma_wait3A_249 = tpu.memref_slice %arg14[%dma_wait3A_248] : memref<512xf32, #tpu.memory_space<vmem>> -> memref<128xf32, #tpu.memory_space<vmem>>
    %dma_wait3A_250 = arith.constant 0 : i32
    %dma_wait3A_251 = tpu.memref_slice %arg10[%dma_wait3A_247, %dma_wait3A_250] : memref<4x128xi32, #tpu.memory_space<vmem>> -> memref<1x128xi32, #tpu.memory_space<vmem>>
    %dma_wait3A_252 = tpu.memref_squeeze %dma_wait3A_251 : memref<1x128xi32, #tpu.memory_space<vmem>> -> memref<128xi32, #tpu.memory_space<vmem>>
    %dma_wait3A_253 = arith.constant 0 : i32
    %dma_wait3A_254 = tpu.memref_slice %arg7[%dma_wait3A_253] : memref<100000xf32, #tpu.memory_space<hbm>> -> memref<100000xf32, #tpu.memory_space<hbm>>
    tpu.wait_indirect_dma semaphore(%arg16 : memref<!tpu.dma_semaphore, #tpu.memory_space<semaphore_mem>>) src(%dma_wait3A_254 : memref<100000xf32, #tpu.memory_space<hbm>>) dst(%dma_wait3A_249 : memref<128xf32, #tpu.memory_space<vmem>>)
    %dma_wait3A_255 = arith.constant 3 : i32
    %dma_wait3A_256 = arith.constant 384 : i32
    %dma_wait3A_257 = arith.constant 0 : i32
    %dma_wait3A_258 = tpu.memref_slice %arg11[%dma_wait3A_256, %dma_wait3A_257] : memref<512x64xf32, #tpu.memory_space<vmem>> -> memref<128x64xf32, #tpu.memory_space<vmem>>
    %dma_wait3A_259 = arith.constant 0 : i32
    %dma_wait3A_260 = tpu.memref_slice %arg9[%dma_wait3A_255, %dma_wait3A_259] : memref<4x128xi32, #tpu.memory_space<vmem>> -> memref<1x128xi32, #tpu.memory_space<vmem>>
    %dma_wait3A_261 = tpu.memref_squeeze %dma_wait3A_260 : memref<1x128xi32, #tpu.memory_space<vmem>> -> memref<128xi32, #tpu.memory_space<vmem>>
    %dma_wait3A_262 = arith.constant 0 : i32
    %dma_wait3A_263 = arith.constant 0 : i32
    %dma_wait3A_264 = tpu.memref_slice %arg4[%dma_wait3A_262, %dma_wait3A_263] : memref<100000x64xf32, #tpu.memory_space<hbm>> -> memref<100000x64xf32, #tpu.memory_space<hbm>>
    tpu.wait_indirect_dma semaphore(%arg16 : memref<!tpu.dma_semaphore, #tpu.memory_space<semaphore_mem>>) src(%dma_wait3A_264 : memref<100000x64xf32, #tpu.memory_space<hbm>>) dst(%dma_wait3A_258 : memref<128x64xf32, #tpu.memory_space<vmem>>)
    %dma_wait3A_265 = arith.constant 3 : i32
    %dma_wait3A_266 = arith.constant 384 : i32
    %dma_wait3A_267 = arith.constant 0 : i32
    %dma_wait3A_268 = tpu.memref_slice %arg12[%dma_wait3A_266, %dma_wait3A_267] : memref<512x64xf32, #tpu.memory_space<vmem>> -> memref<128x64xf32, #tpu.memory_space<vmem>>
    %dma_wait3A_269 = arith.constant 0 : i32
    %dma_wait3A_270 = tpu.memref_slice %arg10[%dma_wait3A_265, %dma_wait3A_269] : memref<4x128xi32, #tpu.memory_space<vmem>> -> memref<1x128xi32, #tpu.memory_space<vmem>>
    %dma_wait3A_271 = tpu.memref_squeeze %dma_wait3A_270 : memref<1x128xi32, #tpu.memory_space<vmem>> -> memref<128xi32, #tpu.memory_space<vmem>>
    %dma_wait3A_272 = arith.constant 0 : i32
    %dma_wait3A_273 = arith.constant 0 : i32
    %dma_wait3A_274 = tpu.memref_slice %arg6[%dma_wait3A_272, %dma_wait3A_273] : memref<100000x64xf32, #tpu.memory_space<hbm>> -> memref<100000x64xf32, #tpu.memory_space<hbm>>
    tpu.wait_indirect_dma semaphore(%arg16 : memref<!tpu.dma_semaphore, #tpu.memory_space<semaphore_mem>>) src(%dma_wait3A_274 : memref<100000x64xf32, #tpu.memory_space<hbm>>) dst(%dma_wait3A_268 : memref<128x64xf32, #tpu.memory_space<vmem>>)
    %dma_wait3A_275 = arith.constant 3 : i32
    %dma_wait3A_276 = arith.constant 384 : i32
    %dma_wait3A_277 = tpu.memref_slice %arg13[%dma_wait3A_276] : memref<512xf32, #tpu.memory_space<vmem>> -> memref<128xf32, #tpu.memory_space<vmem>>
    %dma_wait3A_278 = arith.constant 0 : i32
    %dma_wait3A_279 = tpu.memref_slice %arg9[%dma_wait3A_275, %dma_wait3A_278] : memref<4x128xi32, #tpu.memory_space<vmem>> -> memref<1x128xi32, #tpu.memory_space<vmem>>
    %dma_wait3A_280 = tpu.memref_squeeze %dma_wait3A_279 : memref<1x128xi32, #tpu.memory_space<vmem>> -> memref<128xi32, #tpu.memory_space<vmem>>
    %dma_wait3A_281 = arith.constant 0 : i32
    %dma_wait3A_282 = tpu.memref_slice %arg5[%dma_wait3A_281] : memref<100000xf32, #tpu.memory_space<hbm>> -> memref<100000xf32, #tpu.memory_space<hbm>>
    tpu.wait_indirect_dma semaphore(%arg16 : memref<!tpu.dma_semaphore, #tpu.memory_space<semaphore_mem>>) src(%dma_wait3A_282 : memref<100000xf32, #tpu.memory_space<hbm>>) dst(%dma_wait3A_277 : memref<128xf32, #tpu.memory_space<vmem>>)
    %dma_wait3A_283 = arith.constant 3 : i32
    %dma_wait3A_284 = arith.constant 384 : i32
    %dma_wait3A_285 = tpu.memref_slice %arg14[%dma_wait3A_284] : memref<512xf32, #tpu.memory_space<vmem>> -> memref<128xf32, #tpu.memory_space<vmem>>
    %dma_wait3A_286 = arith.constant 0 : i32
    %dma_wait3A_287 = tpu.memref_slice %arg10[%dma_wait3A_283, %dma_wait3A_286] : memref<4x128xi32, #tpu.memory_space<vmem>> -> memref<1x128xi32, #tpu.memory_space<vmem>>
    %dma_wait3A_288 = tpu.memref_squeeze %dma_wait3A_287 : memref<1x128xi32, #tpu.memory_space<vmem>> -> memref<128xi32, #tpu.memory_space<vmem>>
    %dma_wait3A_289 = arith.constant 0 : i32
    %dma_wait3A_290 = tpu.memref_slice %arg7[%dma_wait3A_289] : memref<100000xf32, #tpu.memory_space<hbm>> -> memref<100000xf32, #tpu.memory_space<hbm>>
    tpu.wait_indirect_dma semaphore(%arg16 : memref<!tpu.dma_semaphore, #tpu.memory_space<semaphore_mem>>) src(%dma_wait3A_290 : memref<100000xf32, #tpu.memory_space<hbm>>) dst(%dma_wait3A_285 : memref<128xf32, #tpu.memory_space<vmem>>)
    %iota3A = tpu.iota {dimensions = array<i32: 0>} : vector<16xi32>
    %scan3A = arith.constant 0 : i32
    %scan3A_291 = arith.constant 0 : i32
    %scan3A_292 = arith.constant 32 : i32
    %scan3A_293 = arith.addi %scan3A_291, %scan3A_292 : i32
    %scan3A_294 = arith.constant 1 : i32
    scf.for %scan3A_296 = %scan3A_291 to %scan3A_293 step %scan3A_294  : i32 {
      %broadcast_in_dim3A = arith.constant 0.000000e+00 : f32
      %broadcast_in_dim3A_297 = vector.broadcast %broadcast_in_dim3A : f32 to vector<16xf32>
      %mul3A_298 = arith.constant 16 : i32
      %mul3A_299 = arith.muli %scan3A_296, %mul3A_298 : i32
      %add3A_300 = arith.constant 0 : i32
      %add3A_301 = arith.addi %mul3A_299, %add3A_300 : i32
      %get3A = arith.index_cast %add3A_301 : i32 to index
      %get3A_302 = arith.constant 0 : index
      %get3A_303 = tpu.vector_load %arg11[%get3A, %get3A_302] {strides = array<i32>} : memref<512x64xf32, #tpu.memory_space<vmem>>, vector<16xf32>,
      %get3A_304 = arith.index_cast %add3A_301 : i32 to index
      %get3A_305 = arith.constant 0 : index
      %get3A_306 = tpu.vector_load %arg12[%get3A_304, %get3A_305] {strides = array<i32>} : memref<512x64xf32, #tpu.memory_space<vmem>>, vector<16xf32>,
      %mul3A_307 = arith.mulf %get3A_303, %get3A_306 : vector<16xf32>
      %get3A_308 = arith.index_cast %add3A_301 : i32 to index
      %get3A_309 = arith.constant 16 : index
      %get3A_310 = tpu.vector_load %arg11[%get3A_308, %get3A_309] {strides = array<i32>} : memref<512x64xf32, #tpu.memory_space<vmem>>, vector<16xf32>,
      %get3A_311 = arith.index_cast %add3A_301 : i32 to index
      %get3A_312 = arith.constant 16 : index
      %get3A_313 = tpu.vector_load %arg12[%get3A_311, %get3A_312] {strides = array<i32>} : memref<512x64xf32, #tpu.memory_space<vmem>>, vector<16xf32>,
      %mul3A_314 = arith.mulf %get3A_310, %get3A_313 : vector<16xf32>
      %add3A_315 = arith.addf %mul3A_307, %mul3A_314 : vector<16xf32>
      %get3A_316 = arith.index_cast %add3A_301 : i32 to index
      %get3A_317 = arith.constant 32 : index
      %get3A_318 = tpu.vector_load %arg11[%get3A_316, %get3A_317] {strides = array<i32>} : memref<512x64xf32, #tpu.memory_space<vmem>>, vector<16xf32>,
      %get3A_319 = arith.index_cast %add3A_301 : i32 to index
      %get3A_320 = arith.constant 32 : index
      %get3A_321 = tpu.vector_load %arg12[%get3A_319, %get3A_320] {strides = array<i32>} : memref<512x64xf32, #tpu.memory_space<vmem>>, vector<16xf32>,
      %mul3A_322 = arith.mulf %get3A_318, %get3A_321 : vector<16xf32>
      %add3A_323 = arith.addf %add3A_315, %mul3A_322 : vector<16xf32>
      %get3A_324 = arith.index_cast %add3A_301 : i32 to index
      %get3A_325 = arith.constant 48 : index
      %get3A_326 = tpu.vector_load %arg11[%get3A_324, %get3A_325] {strides = array<i32>} : memref<512x64xf32, #tpu.memory_space<vmem>>, vector<16xf32>,
      %get3A_327 = arith.index_cast %add3A_301 : i32 to index
      %get3A_328 = arith.constant 48 : index
      %get3A_329 = tpu.vector_load %arg12[%get3A_327, %get3A_328] {strides = array<i32>} : memref<512x64xf32, #tpu.memory_space<vmem>>, vector<16xf32>,
      %mul3A_330 = arith.mulf %get3A_326, %get3A_329 : vector<16xf32>
      %add3A_331 = arith.addf %add3A_323, %mul3A_330 : vector<16xf32>
      %reduce_sum3A = arith.constant true
      %reduce_sum3A_332 = vector.broadcast %reduce_sum3A : i1 to vector<16xi1>
      %reduce_sum3A_333 = tpu.scan <sum>, %add3A_331 masked %reduce_sum3A_332 : vector<16xf32>, vector<16xi1> -> vector<16xf32>
      %reduce_sum3A_334 = vector.extract %reduce_sum3A_333[15] : f32 from vector<16xf32>
      %eq3A = arith.constant 0 : i32
      %eq3A_335 = vector.broadcast %eq3A : i32 to vector<16xi32>
      %eq3A_336 = arith.cmpi eq, %iota3A, %eq3A_335 : vector<16xi32>
      %broadcast_in_dim3A_337 = vector.broadcast %reduce_sum3A_334 : f32 to vector<16xf32>
      %select_n3A = arith.select %eq3A_336, %broadcast_in_dim3A_337, %broadcast_in_dim3A_297 : vector<16xi1>, vector<16xf32>
      %mul3A_338 = arith.constant 16 : i32
      %mul3A_339 = arith.muli %scan3A_296, %mul3A_338 : i32
      %add3A_340 = arith.constant 1 : i32
      %add3A_341 = arith.addi %mul3A_339, %add3A_340 : i32
      %get3A_342 = arith.index_cast %add3A_341 : i32 to index
      %get3A_343 = arith.constant 0 : index
      %get3A_344 = tpu.vector_load %arg11[%get3A_342, %get3A_343] {strides = array<i32>} : memref<512x64xf32, #tpu.memory_space<vmem>>, vector<16xf32>,
      %get3A_345 = arith.index_cast %add3A_341 : i32 to index
      %get3A_346 = arith.constant 0 : index
      %get3A_347 = tpu.vector_load %arg12[%get3A_345, %get3A_346] {strides = array<i32>} : memref<512x64xf32, #tpu.memory_space<vmem>>, vector<16xf32>,
      %mul3A_348 = arith.mulf %get3A_344, %get3A_347 : vector<16xf32>
      %get3A_349 = arith.index_cast %add3A_341 : i32 to index
      %get3A_350 = arith.constant 16 : index
      %get3A_351 = tpu.vector_load %arg11[%get3A_349, %get3A_350] {strides = array<i32>} : memref<512x64xf32, #tpu.memory_space<vmem>>, vector<16xf32>,
      %get3A_352 = arith.index_cast %add3A_341 : i32 to index
      %get3A_353 = arith.constant 16 : index
      %get3A_354 = tpu.vector_load %arg12[%get3A_352, %get3A_353] {strides = array<i32>} : memref<512x64xf32, #tpu.memory_space<vmem>>, vector<16xf32>,
      %mul3A_355 = arith.mulf %get3A_351, %get3A_354 : vector<16xf32>
      %add3A_356 = arith.addf %mul3A_348, %mul3A_355 : vector<16xf32>
      %get3A_357 = arith.index_cast %add3A_341 : i32 to index
      %get3A_358 = arith.constant 32 : index
      %get3A_359 = tpu.vector_load %arg11[%get3A_357, %get3A_358] {strides = array<i32>} : memref<512x64xf32, #tpu.memory_space<vmem>>, vector<16xf32>,
      %get3A_360 = arith.index_cast %add3A_341 : i32 to index
      %get3A_361 = arith.constant 32 : index
      %get3A_362 = tpu.vector_load %arg12[%get3A_360, %get3A_361] {strides = array<i32>} : memref<512x64xf32, #tpu.memory_space<vmem>>, vector<16xf32>,
      %mul3A_363 = arith.mulf %get3A_359, %get3A_362 : vector<16xf32>
      %add3A_364 = arith.addf %add3A_356, %mul3A_363 : vector<16xf32>
      %get3A_365 = arith.index_cast %add3A_341 : i32 to index
      %get3A_366 = arith.constant 48 : index
      %get3A_367 = tpu.vector_load %arg11[%get3A_365, %get3A_366] {strides = array<i32>} : memref<512x64xf32, #tpu.memory_space<vmem>>, vector<16xf32>,
      %get3A_368 = arith.index_cast %add3A_341 : i32 to index
      %get3A_369 = arith.constant 48 : index
      %get3A_370 = tpu.vector_load %arg12[%get3A_368, %get3A_369] {strides = array<i32>} : memref<512x64xf32, #tpu.memory_space<vmem>>, vector<16xf32>,
      %mul3A_371 = arith.mulf %get3A_367, %get3A_370 : vector<16xf32>
      %add3A_372 = arith.addf %add3A_364, %mul3A_371 : vector<16xf32>
      %reduce_sum3A_373 = arith.constant true
      %reduce_sum3A_374 = vector.broadcast %reduce_sum3A_373 : i1 to vector<16xi1>
      %reduce_sum3A_375 = tpu.scan <sum>, %add3A_372 masked %reduce_sum3A_374 : vector<16xf32>, vector<16xi1> -> vector<16xf32>
      %reduce_sum3A_376 = vector.extract %reduce_sum3A_375[15] : f32 from vector<16xf32>
      %eq3A_377 = arith.constant 1 : i32
      %eq3A_378 = vector.broadcast %eq3A_377 : i32 to vector<16xi32>
      %eq3A_379 = arith.cmpi eq, %iota3A, %eq3A_378 : vector<16xi32>
      %broadcast_in_dim3A_380 = vector.broadcast %reduce_sum3A_376 : f32 to vector<16xf32>
      %select_n3A_381 = arith.select %eq3A_379, %broadcast_in_dim3A_380, %select_n3A : vector<16xi1>, vector<16xf32>
      %mul3A_382 = arith.constant 16 : i32
      %mul3A_383 = arith.muli %scan3A_296, %mul3A_382 : i32
      %add3A_384 = arith.constant 2 : i32
      %add3A_385 = arith.addi %mul3A_383, %add3A_384 : i32
      %get3A_386 = arith.index_cast %add3A_385 : i32 to index
      %get3A_387 = arith.constant 0 : index
      %get3A_388 = tpu.vector_load %arg11[%get3A_386, %get3A_387] {strides = array<i32>} : memref<512x64xf32, #tpu.memory_space<vmem>>, vector<16xf32>,
      %get3A_389 = arith.index_cast %add3A_385 : i32 to index
      %get3A_390 = arith.constant 0 : index
      %get3A_391 = tpu.vector_load %arg12[%get3A_389, %get3A_390] {strides = array<i32>} : memref<512x64xf32, #tpu.memory_space<vmem>>, vector<16xf32>,
      %mul3A_392 = arith.mulf %get3A_388, %get3A_391 : vector<16xf32>
      %get3A_393 = arith.index_cast %add3A_385 : i32 to index
      %get3A_394 = arith.constant 16 : index
      %get3A_395 = tpu.vector_load %arg11[%get3A_393, %get3A_394] {strides = array<i32>} : memref<512x64xf32, #tpu.memory_space<vmem>>, vector<16xf32>,
      %get3A_396 = arith.index_cast %add3A_385 : i32 to index
      %get3A_397 = arith.constant 16 : index
      %get3A_398 = tpu.vector_load %arg12[%get3A_396, %get3A_397] {strides = array<i32>} : memref<512x64xf32, #tpu.memory_space<vmem>>, vector<16xf32>,
      %mul3A_399 = arith.mulf %get3A_395, %get3A_398 : vector<16xf32>
      %add3A_400 = arith.addf %mul3A_392, %mul3A_399 : vector<16xf32>
      %get3A_401 = arith.index_cast %add3A_385 : i32 to index
      %get3A_402 = arith.constant 32 : index
      %get3A_403 = tpu.vector_load %arg11[%get3A_401, %get3A_402] {strides = array<i32>} : memref<512x64xf32, #tpu.memory_space<vmem>>, vector<16xf32>,
      %get3A_404 = arith.index_cast %add3A_385 : i32 to index
      %get3A_405 = arith.constant 32 : index
      %get3A_406 = tpu.vector_load %arg12[%get3A_404, %get3A_405] {strides = array<i32>} : memref<512x64xf32, #tpu.memory_space<vmem>>, vector<16xf32>,
      %mul3A_407 = arith.mulf %get3A_403, %get3A_406 : vector<16xf32>
      %add3A_408 = arith.addf %add3A_400, %mul3A_407 : vector<16xf32>
      %get3A_409 = arith.index_cast %add3A_385 : i32 to index
      %get3A_410 = arith.constant 48 : index
      %get3A_411 = tpu.vector_load %arg11[%get3A_409, %get3A_410] {strides = array<i32>} : memref<512x64xf32, #tpu.memory_space<vmem>>, vector<16xf32>,
      %get3A_412 = arith.index_cast %add3A_385 : i32 to index
      %get3A_413 = arith.constant 48 : index
      %get3A_414 = tpu.vector_load %arg12[%get3A_412, %get3A_413] {strides = array<i32>} : memref<512x64xf32, #tpu.memory_space<vmem>>, vector<16xf32>,
      %mul3A_415 = arith.mulf %get3A_411, %get3A_414 : vector<16xf32>
      %add3A_416 = arith.addf %add3A_408, %mul3A_415 : vector<16xf32>
      %reduce_sum3A_417 = arith.constant true
      %reduce_sum3A_418 = vector.broadcast %reduce_sum3A_417 : i1 to vector<16xi1>
      %reduce_sum3A_419 = tpu.scan <sum>, %add3A_416 masked %reduce_sum3A_418 : vector<16xf32>, vector<16xi1> -> vector<16xf32>
      %reduce_sum3A_420 = vector.extract %reduce_sum3A_419[15] : f32 from vector<16xf32>
      %eq3A_421 = arith.constant 2 : i32
      %eq3A_422 = vector.broadcast %eq3A_421 : i32 to vector<16xi32>
      %eq3A_423 = arith.cmpi eq, %iota3A, %eq3A_422 : vector<16xi32>
      %broadcast_in_dim3A_424 = vector.broadcast %reduce_sum3A_420 : f32 to vector<16xf32>
      %select_n3A_425 = arith.select %eq3A_423, %broadcast_in_dim3A_424, %select_n3A_381 : vector<16xi1>, vector<16xf32>
      %mul3A_426 = arith.constant 16 : i32
      %mul3A_427 = arith.muli %scan3A_296, %mul3A_426 : i32
      %add3A_428 = arith.constant 3 : i32
      %add3A_429 = arith.addi %mul3A_427, %add3A_428 : i32
      %get3A_430 = arith.index_cast %add3A_429 : i32 to index
      %get3A_431 = arith.constant 0 : index
      %get3A_432 = tpu.vector_load %arg11[%get3A_430, %get3A_431] {strides = array<i32>} : memref<512x64xf32, #tpu.memory_space<vmem>>, vector<16xf32>,
      %get3A_433 = arith.index_cast %add3A_429 : i32 to index
      %get3A_434 = arith.constant 0 : index
      %get3A_435 = tpu.vector_load %arg12[%get3A_433, %get3A_434] {strides = array<i32>} : memref<512x64xf32, #tpu.memory_space<vmem>>, vector<16xf32>,
      %mul3A_436 = arith.mulf %get3A_432, %get3A_435 : vector<16xf32>
      %get3A_437 = arith.index_cast %add3A_429 : i32 to index
      %get3A_438 = arith.constant 16 : index
      %get3A_439 = tpu.vector_load %arg11[%get3A_437, %get3A_438] {strides = array<i32>} : memref<512x64xf32, #tpu.memory_space<vmem>>, vector<16xf32>,
      %get3A_440 = arith.index_cast %add3A_429 : i32 to index
      %get3A_441 = arith.constant 16 : index
      %get3A_442 = tpu.vector_load %arg12[%get3A_440, %get3A_441] {strides = array<i32>} : memref<512x64xf32, #tpu.memory_space<vmem>>, vector<16xf32>,
      %mul3A_443 = arith.mulf %get3A_439, %get3A_442 : vector<16xf32>
      %add3A_444 = arith.addf %mul3A_436, %mul3A_443 : vector<16xf32>
      %get3A_445 = arith.index_cast %add3A_429 : i32 to index
      %get3A_446 = arith.constant 32 : index
      %get3A_447 = tpu.vector_load %arg11[%get3A_445, %get3A_446] {strides = array<i32>} : memref<512x64xf32, #tpu.memory_space<vmem>>, vector<16xf32>,
      %get3A_448 = arith.index_cast %add3A_429 : i32 to index
      %get3A_449 = arith.constant 32 : index
      %get3A_450 = tpu.vector_load %arg12[%get3A_448, %get3A_449] {strides = array<i32>} : memref<512x64xf32, #tpu.memory_space<vmem>>, vector<16xf32>,
      %mul3A_451 = arith.mulf %get3A_447, %get3A_450 : vector<16xf32>
      %add3A_452 = arith.addf %add3A_444, %mul3A_451 : vector<16xf32>
      %get3A_453 = arith.index_cast %add3A_429 : i32 to index
      %get3A_454 = arith.constant 48 : index
      %get3A_455 = tpu.vector_load %arg11[%get3A_453, %get3A_454] {strides = array<i32>} : memref<512x64xf32, #tpu.memory_space<vmem>>, vector<16xf32>,
      %get3A_456 = arith.index_cast %add3A_429 : i32 to index
      %get3A_457 = arith.constant 48 : index
      %get3A_458 = tpu.vector_load %arg12[%get3A_456, %get3A_457] {strides = array<i32>} : memref<512x64xf32, #tpu.memory_space<vmem>>, vector<16xf32>,
      %mul3A_459 = arith.mulf %get3A_455, %get3A_458 : vector<16xf32>
      %add3A_460 = arith.addf %add3A_452, %mul3A_459 : vector<16xf32>
      %reduce_sum3A_461 = arith.constant true
      %reduce_sum3A_462 = vector.broadcast %reduce_sum3A_461 : i1 to vector<16xi1>
      %reduce_sum3A_463 = tpu.scan <sum>, %add3A_460 masked %reduce_sum3A_462 : vector<16xf32>, vector<16xi1> -> vector<16xf32>
      %reduce_sum3A_464 = vector.extract %reduce_sum3A_463[15] : f32 from vector<16xf32>
      %eq3A_465 = arith.constant 3 : i32
      %eq3A_466 = vector.broadcast %eq3A_465 : i32 to vector<16xi32>
      %eq3A_467 = arith.cmpi eq, %iota3A, %eq3A_466 : vector<16xi32>
      %broadcast_in_dim3A_468 = vector.broadcast %reduce_sum3A_464 : f32 to vector<16xf32>
      %select_n3A_469 = arith.select %eq3A_467, %broadcast_in_dim3A_468, %select_n3A_425 : vector<16xi1>, vector<16xf32>
      %mul3A_470 = arith.constant 16 : i32
      %mul3A_471 = arith.muli %scan3A_296, %mul3A_470 : i32
      %add3A_472 = arith.constant 4 : i32
      %add3A_473 = arith.addi %mul3A_471, %add3A_472 : i32
      %get3A_474 = arith.index_cast %add3A_473 : i32 to index
      %get3A_475 = arith.constant 0 : index
      %get3A_476 = tpu.vector_load %arg11[%get3A_474, %get3A_475] {strides = array<i32>} : memref<512x64xf32, #tpu.memory_space<vmem>>, vector<16xf32>,
      %get3A_477 = arith.index_cast %add3A_473 : i32 to index
      %get3A_478 = arith.constant 0 : index
      %get3A_479 = tpu.vector_load %arg12[%get3A_477, %get3A_478] {strides = array<i32>} : memref<512x64xf32, #tpu.memory_space<vmem>>, vector<16xf32>,
      %mul3A_480 = arith.mulf %get3A_476, %get3A_479 : vector<16xf32>
      %get3A_481 = arith.index_cast %add3A_473 : i32 to index
      %get3A_482 = arith.constant 16 : index
      %get3A_483 = tpu.vector_load %arg11[%get3A_481, %get3A_482] {strides = array<i32>} : memref<512x64xf32, #tpu.memory_space<vmem>>, vector<16xf32>,
      %get3A_484 = arith.index_cast %add3A_473 : i32 to index
      %get3A_485 = arith.constant 16 : index
      %get3A_486 = tpu.vector_load %arg12[%get3A_484, %get3A_485] {strides = array<i32>} : memref<512x64xf32, #tpu.memory_space<vmem>>, vector<16xf32>,
      %mul3A_487 = arith.mulf %get3A_483, %get3A_486 : vector<16xf32>
      %add3A_488 = arith.addf %mul3A_480, %mul3A_487 : vector<16xf32>
      %get3A_489 = arith.index_cast %add3A_473 : i32 to index
      %get3A_490 = arith.constant 32 : index
      %get3A_491 = tpu.vector_load %arg11[%get3A_489, %get3A_490] {strides = array<i32>} : memref<512x64xf32, #tpu.memory_space<vmem>>, vector<16xf32>,
      %get3A_492 = arith.index_cast %add3A_473 : i32 to index
      %get3A_493 = arith.constant 32 : index
      %get3A_494 = tpu.vector_load %arg12[%get3A_492, %get3A_493] {strides = array<i32>} : memref<512x64xf32, #tpu.memory_space<vmem>>, vector<16xf32>,
      %mul3A_495 = arith.mulf %get3A_491, %get3A_494 : vector<16xf32>
      %add3A_496 = arith.addf %add3A_488, %mul3A_495 : vector<16xf32>
      %get3A_497 = arith.index_cast %add3A_473 : i32 to index
      %get3A_498 = arith.constant 48 : index
      %get3A_499 = tpu.vector_load %arg11[%get3A_497, %get3A_498] {strides = array<i32>} : memref<512x64xf32, #tpu.memory_space<vmem>>, vector<16xf32>,
      %get3A_500 = arith.index_cast %add3A_473 : i32 to index
      %get3A_501 = arith.constant 48 : index
      %get3A_502 = tpu.vector_load %arg12[%get3A_500, %get3A_501] {strides = array<i32>} : memref<512x64xf32, #tpu.memory_space<vmem>>, vector<16xf32>,
      %mul3A_503 = arith.mulf %get3A_499, %get3A_502 : vector<16xf32>
      %add3A_504 = arith.addf %add3A_496, %mul3A_503 : vector<16xf32>
      %reduce_sum3A_505 = arith.constant true
      %reduce_sum3A_506 = vector.broadcast %reduce_sum3A_505 : i1 to vector<16xi1>
      %reduce_sum3A_507 = tpu.scan <sum>, %add3A_504 masked %reduce_sum3A_506 : vector<16xf32>, vector<16xi1> -> vector<16xf32>
      %reduce_sum3A_508 = vector.extract %reduce_sum3A_507[15] : f32 from vector<16xf32>
      %eq3A_509 = arith.constant 4 : i32
      %eq3A_510 = vector.broadcast %eq3A_509 : i32 to vector<16xi32>
      %eq3A_511 = arith.cmpi eq, %iota3A, %eq3A_510 : vector<16xi32>
      %broadcast_in_dim3A_512 = vector.broadcast %reduce_sum3A_508 : f32 to vector<16xf32>
      %select_n3A_513 = arith.select %eq3A_511, %broadcast_in_dim3A_512, %select_n3A_469 : vector<16xi1>, vector<16xf32>
      %mul3A_514 = arith.constant 16 : i32
      %mul3A_515 = arith.muli %scan3A_296, %mul3A_514 : i32
      %add3A_516 = arith.constant 5 : i32
      %add3A_517 = arith.addi %mul3A_515, %add3A_516 : i32
      %get3A_518 = arith.index_cast %add3A_517 : i32 to index
      %get3A_519 = arith.constant 0 : index
      %get3A_520 = tpu.vector_load %arg11[%get3A_518, %get3A_519] {strides = array<i32>} : memref<512x64xf32, #tpu.memory_space<vmem>>, vector<16xf32>,
      %get3A_521 = arith.index_cast %add3A_517 : i32 to index
      %get3A_522 = arith.constant 0 : index
      %get3A_523 = tpu.vector_load %arg12[%get3A_521, %get3A_522] {strides = array<i32>} : memref<512x64xf32, #tpu.memory_space<vmem>>, vector<16xf32>,
      %mul3A_524 = arith.mulf %get3A_520, %get3A_523 : vector<16xf32>
      %get3A_525 = arith.index_cast %add3A_517 : i32 to index
      %get3A_526 = arith.constant 16 : index
      %get3A_527 = tpu.vector_load %arg11[%get3A_525, %get3A_526] {strides = array<i32>} : memref<512x64xf32, #tpu.memory_space<vmem>>, vector<16xf32>,
      %get3A_528 = arith.index_cast %add3A_517 : i32 to index
      %get3A_529 = arith.constant 16 : index
      %get3A_530 = tpu.vector_load %arg12[%get3A_528, %get3A_529] {strides = array<i32>} : memref<512x64xf32, #tpu.memory_space<vmem>>, vector<16xf32>,
      %mul3A_531 = arith.mulf %get3A_527, %get3A_530 : vector<16xf32>
      %add3A_532 = arith.addf %mul3A_524, %mul3A_531 : vector<16xf32>
      %get3A_533 = arith.index_cast %add3A_517 : i32 to index
      %get3A_534 = arith.constant 32 : index
      %get3A_535 = tpu.vector_load %arg11[%get3A_533, %get3A_534] {strides = array<i32>} : memref<512x64xf32, #tpu.memory_space<vmem>>, vector<16xf32>,
      %get3A_536 = arith.index_cast %add3A_517 : i32 to index
      %get3A_537 = arith.constant 32 : index
      %get3A_538 = tpu.vector_load %arg12[%get3A_536, %get3A_537] {strides = array<i32>} : memref<512x64xf32, #tpu.memory_space<vmem>>, vector<16xf32>,
      %mul3A_539 = arith.mulf %get3A_535, %get3A_538 : vector<16xf32>
      %add3A_540 = arith.addf %add3A_532, %mul3A_539 : vector<16xf32>
      %get3A_541 = arith.index_cast %add3A_517 : i32 to index
      %get3A_542 = arith.constant 48 : index
      %get3A_543 = tpu.vector_load %arg11[%get3A_541, %get3A_542] {strides = array<i32>} : memref<512x64xf32, #tpu.memory_space<vmem>>, vector<16xf32>,
      %get3A_544 = arith.index_cast %add3A_517 : i32 to index
      %get3A_545 = arith.constant 48 : index
      %get3A_546 = tpu.vector_load %arg12[%get3A_544, %get3A_545] {strides = array<i32>} : memref<512x64xf32, #tpu.memory_space<vmem>>, vector<16xf32>,
      %mul3A_547 = arith.mulf %get3A_543, %get3A_546 : vector<16xf32>
      %add3A_548 = arith.addf %add3A_540, %mul3A_547 : vector<16xf32>
      %reduce_sum3A_549 = arith.constant true
      %reduce_sum3A_550 = vector.broadcast %reduce_sum3A_549 : i1 to vector<16xi1>
      %reduce_sum3A_551 = tpu.scan <sum>, %add3A_548 masked %reduce_sum3A_550 : vector<16xf32>, vector<16xi1> -> vector<16xf32>
      %reduce_sum3A_552 = vector.extract %reduce_sum3A_551[15] : f32 from vector<16xf32>
      %eq3A_553 = arith.constant 5 : i32
      %eq3A_554 = vector.broadcast %eq3A_553 : i32 to vector<16xi32>
      %eq3A_555 = arith.cmpi eq, %iota3A, %eq3A_554 : vector<16xi32>
      %broadcast_in_dim3A_556 = vector.broadcast %reduce_sum3A_552 : f32 to vector<16xf32>
      %select_n3A_557 = arith.select %eq3A_555, %broadcast_in_dim3A_556, %select_n3A_513 : vector<16xi1>, vector<16xf32>
      %mul3A_558 = arith.constant 16 : i32
      %mul3A_559 = arith.muli %scan3A_296, %mul3A_558 : i32
      %add3A_560 = arith.constant 6 : i32
      %add3A_561 = arith.addi %mul3A_559, %add3A_560 : i32
      %get3A_562 = arith.index_cast %add3A_561 : i32 to index
      %get3A_563 = arith.constant 0 : index
      %get3A_564 = tpu.vector_load %arg11[%get3A_562, %get3A_563] {strides = array<i32>} : memref<512x64xf32, #tpu.memory_space<vmem>>, vector<16xf32>,
      %get3A_565 = arith.index_cast %add3A_561 : i32 to index
      %get3A_566 = arith.constant 0 : index
      %get3A_567 = tpu.vector_load %arg12[%get3A_565, %get3A_566] {strides = array<i32>} : memref<512x64xf32, #tpu.memory_space<vmem>>, vector<16xf32>,
      %mul3A_568 = arith.mulf %get3A_564, %get3A_567 : vector<16xf32>
      %get3A_569 = arith.index_cast %add3A_561 : i32 to index
      %get3A_570 = arith.constant 16 : index
      %get3A_571 = tpu.vector_load %arg11[%get3A_569, %get3A_570] {strides = array<i32>} : memref<512x64xf32, #tpu.memory_space<vmem>>, vector<16xf32>,
      %get3A_572 = arith.index_cast %add3A_561 : i32 to index
      %get3A_573 = arith.constant 16 : index
      %get3A_574 = tpu.vector_load %arg12[%get3A_572, %get3A_573] {strides = array<i32>} : memref<512x64xf32, #tpu.memory_space<vmem>>, vector<16xf32>,
      %mul3A_575 = arith.mulf %get3A_571, %get3A_574 : vector<16xf32>
      %add3A_576 = arith.addf %mul3A_568, %mul3A_575 : vector<16xf32>
      %get3A_577 = arith.index_cast %add3A_561 : i32 to index
      %get3A_578 = arith.constant 32 : index
      %get3A_579 = tpu.vector_load %arg11[%get3A_577, %get3A_578] {strides = array<i32>} : memref<512x64xf32, #tpu.memory_space<vmem>>, vector<16xf32>,
      %get3A_580 = arith.index_cast %add3A_561 : i32 to index
      %get3A_581 = arith.constant 32 : index
      %get3A_582 = tpu.vector_load %arg12[%get3A_580, %get3A_581] {strides = array<i32>} : memref<512x64xf32, #tpu.memory_space<vmem>>, vector<16xf32>,
      %mul3A_583 = arith.mulf %get3A_579, %get3A_582 : vector<16xf32>
      %add3A_584 = arith.addf %add3A_576, %mul3A_583 : vector<16xf32>
      %get3A_585 = arith.index_cast %add3A_561 : i32 to index
      %get3A_586 = arith.constant 48 : index
      %get3A_587 = tpu.vector_load %arg11[%get3A_585, %get3A_586] {strides = array<i32>} : memref<512x64xf32, #tpu.memory_space<vmem>>, vector<16xf32>,
      %get3A_588 = arith.index_cast %add3A_561 : i32 to index
      %get3A_589 = arith.constant 48 : index
      %get3A_590 = tpu.vector_load %arg12[%get3A_588, %get3A_589] {strides = array<i32>} : memref<512x64xf32, #tpu.memory_space<vmem>>, vector<16xf32>,
      %mul3A_591 = arith.mulf %get3A_587, %get3A_590 : vector<16xf32>
      %add3A_592 = arith.addf %add3A_584, %mul3A_591 : vector<16xf32>
      %reduce_sum3A_593 = arith.constant true
      %reduce_sum3A_594 = vector.broadcast %reduce_sum3A_593 : i1 to vector<16xi1>
      %reduce_sum3A_595 = tpu.scan <sum>, %add3A_592 masked %reduce_sum3A_594 : vector<16xf32>, vector<16xi1> -> vector<16xf32>
      %reduce_sum3A_596 = vector.extract %reduce_sum3A_595[15] : f32 from vector<16xf32>
      %eq3A_597 = arith.constant 6 : i32
      %eq3A_598 = vector.broadcast %eq3A_597 : i32 to vector<16xi32>
      %eq3A_599 = arith.cmpi eq, %iota3A, %eq3A_598 : vector<16xi32>
      %broadcast_in_dim3A_600 = vector.broadcast %reduce_sum3A_596 : f32 to vector<16xf32>
      %select_n3A_601 = arith.select %eq3A_599, %broadcast_in_dim3A_600, %select_n3A_557 : vector<16xi1>, vector<16xf32>
      %mul3A_602 = arith.constant 16 : i32
      %mul3A_603 = arith.muli %scan3A_296, %mul3A_602 : i32
      %add3A_604 = arith.constant 7 : i32
      %add3A_605 = arith.addi %mul3A_603, %add3A_604 : i32
      %get3A_606 = arith.index_cast %add3A_605 : i32 to index
      %get3A_607 = arith.constant 0 : index
      %get3A_608 = tpu.vector_load %arg11[%get3A_606, %get3A_607] {strides = array<i32>} : memref<512x64xf32, #tpu.memory_space<vmem>>, vector<16xf32>,
      %get3A_609 = arith.index_cast %add3A_605 : i32 to index
      %get3A_610 = arith.constant 0 : index
      %get3A_611 = tpu.vector_load %arg12[%get3A_609, %get3A_610] {strides = array<i32>} : memref<512x64xf32, #tpu.memory_space<vmem>>, vector<16xf32>,
      %mul3A_612 = arith.mulf %get3A_608, %get3A_611 : vector<16xf32>
      %get3A_613 = arith.index_cast %add3A_605 : i32 to index
      %get3A_614 = arith.constant 16 : index
      %get3A_615 = tpu.vector_load %arg11[%get3A_613, %get3A_614] {strides = array<i32>} : memref<512x64xf32, #tpu.memory_space<vmem>>, vector<16xf32>,
      %get3A_616 = arith.index_cast %add3A_605 : i32 to index
      %get3A_617 = arith.constant 16 : index
      %get3A_618 = tpu.vector_load %arg12[%get3A_616, %get3A_617] {strides = array<i32>} : memref<512x64xf32, #tpu.memory_space<vmem>>, vector<16xf32>,
      %mul3A_619 = arith.mulf %get3A_615, %get3A_618 : vector<16xf32>
      %add3A_620 = arith.addf %mul3A_612, %mul3A_619 : vector<16xf32>
      %get3A_621 = arith.index_cast %add3A_605 : i32 to index
      %get3A_622 = arith.constant 32 : index
      %get3A_623 = tpu.vector_load %arg11[%get3A_621, %get3A_622] {strides = array<i32>} : memref<512x64xf32, #tpu.memory_space<vmem>>, vector<16xf32>,
      %get3A_624 = arith.index_cast %add3A_605 : i32 to index
      %get3A_625 = arith.constant 32 : index
      %get3A_626 = tpu.vector_load %arg12[%get3A_624, %get3A_625] {strides = array<i32>} : memref<512x64xf32, #tpu.memory_space<vmem>>, vector<16xf32>,
      %mul3A_627 = arith.mulf %get3A_623, %get3A_626 : vector<16xf32>
      %add3A_628 = arith.addf %add3A_620, %mul3A_627 : vector<16xf32>
      %get3A_629 = arith.index_cast %add3A_605 : i32 to index
      %get3A_630 = arith.constant 48 : index
      %get3A_631 = tpu.vector_load %arg11[%get3A_629, %get3A_630] {strides = array<i32>} : memref<512x64xf32, #tpu.memory_space<vmem>>, vector<16xf32>,
      %get3A_632 = arith.index_cast %add3A_605 : i32 to index
      %get3A_633 = arith.constant 48 : index
      %get3A_634 = tpu.vector_load %arg12[%get3A_632, %get3A_633] {strides = array<i32>} : memref<512x64xf32, #tpu.memory_space<vmem>>, vector<16xf32>,
      %mul3A_635 = arith.mulf %get3A_631, %get3A_634 : vector<16xf32>
      %add3A_636 = arith.addf %add3A_628, %mul3A_635 : vector<16xf32>
      %reduce_sum3A_637 = arith.constant true
      %reduce_sum3A_638 = vector.broadcast %reduce_sum3A_637 : i1 to vector<16xi1>
      %reduce_sum3A_639 = tpu.scan <sum>, %add3A_636 masked %reduce_sum3A_638 : vector<16xf32>, vector<16xi1> -> vector<16xf32>
      %reduce_sum3A_640 = vector.extract %reduce_sum3A_639[15] : f32 from vector<16xf32>
      %eq3A_641 = arith.constant 7 : i32
      %eq3A_642 = vector.broadcast %eq3A_641 : i32 to vector<16xi32>
      %eq3A_643 = arith.cmpi eq, %iota3A, %eq3A_642 : vector<16xi32>
      %broadcast_in_dim3A_644 = vector.broadcast %reduce_sum3A_640 : f32 to vector<16xf32>
      %select_n3A_645 = arith.select %eq3A_643, %broadcast_in_dim3A_644, %select_n3A_601 : vector<16xi1>, vector<16xf32>
      %mul3A_646 = arith.constant 16 : i32
      %mul3A_647 = arith.muli %scan3A_296, %mul3A_646 : i32
      %add3A_648 = arith.constant 8 : i32
      %add3A_649 = arith.addi %mul3A_647, %add3A_648 : i32
      %get3A_650 = arith.index_cast %add3A_649 : i32 to index
      %get3A_651 = arith.constant 0 : index
      %get3A_652 = tpu.vector_load %arg11[%get3A_650, %get3A_651] {strides = array<i32>} : memref<512x64xf32, #tpu.memory_space<vmem>>, vector<16xf32>,
      %get3A_653 = arith.index_cast %add3A_649 : i32 to index
      %get3A_654 = arith.constant 0 : index
      %get3A_655 = tpu.vector_load %arg12[%get3A_653, %get3A_654] {strides = array<i32>} : memref<512x64xf32, #tpu.memory_space<vmem>>, vector<16xf32>,
      %mul3A_656 = arith.mulf %get3A_652, %get3A_655 : vector<16xf32>
      %get3A_657 = arith.index_cast %add3A_649 : i32 to index
      %get3A_658 = arith.constant 16 : index
      %get3A_659 = tpu.vector_load %arg11[%get3A_657, %get3A_658] {strides = array<i32>} : memref<512x64xf32, #tpu.memory_space<vmem>>, vector<16xf32>,
      %get3A_660 = arith.index_cast %add3A_649 : i32 to index
      %get3A_661 = arith.constant 16 : index
      %get3A_662 = tpu.vector_load %arg12[%get3A_660, %get3A_661] {strides = array<i32>} : memref<512x64xf32, #tpu.memory_space<vmem>>, vector<16xf32>,
      %mul3A_663 = arith.mulf %get3A_659, %get3A_662 : vector<16xf32>
      %add3A_664 = arith.addf %mul3A_656, %mul3A_663 : vector<16xf32>
      %get3A_665 = arith.index_cast %add3A_649 : i32 to index
      %get3A_666 = arith.constant 32 : index
      %get3A_667 = tpu.vector_load %arg11[%get3A_665, %get3A_666] {strides = array<i32>} : memref<512x64xf32, #tpu.memory_space<vmem>>, vector<16xf32>,
      %get3A_668 = arith.index_cast %add3A_649 : i32 to index
      %get3A_669 = arith.constant 32 : index
      %get3A_670 = tpu.vector_load %arg12[%get3A_668, %get3A_669] {strides = array<i32>} : memref<512x64xf32, #tpu.memory_space<vmem>>, vector<16xf32>,
      %mul3A_671 = arith.mulf %get3A_667, %get3A_670 : vector<16xf32>
      %add3A_672 = arith.addf %add3A_664, %mul3A_671 : vector<16xf32>
      %get3A_673 = arith.index_cast %add3A_649 : i32 to index
      %get3A_674 = arith.constant 48 : index
      %get3A_675 = tpu.vector_load %arg11[%get3A_673, %get3A_674] {strides = array<i32>} : memref<512x64xf32, #tpu.memory_space<vmem>>, vector<16xf32>,
      %get3A_676 = arith.index_cast %add3A_649 : i32 to index
      %get3A_677 = arith.constant 48 : index
      %get3A_678 = tpu.vector_load %arg12[%get3A_676, %get3A_677] {strides = array<i32>} : memref<512x64xf32, #tpu.memory_space<vmem>>, vector<16xf32>,
      %mul3A_679 = arith.mulf %get3A_675, %get3A_678 : vector<16xf32>
      %add3A_680 = arith.addf %add3A_672, %mul3A_679 : vector<16xf32>
      %reduce_sum3A_681 = arith.constant true
      %reduce_sum3A_682 = vector.broadcast %reduce_sum3A_681 : i1 to vector<16xi1>
      %reduce_sum3A_683 = tpu.scan <sum>, %add3A_680 masked %reduce_sum3A_682 : vector<16xf32>, vector<16xi1> -> vector<16xf32>
      %reduce_sum3A_684 = vector.extract %reduce_sum3A_683[15] : f32 from vector<16xf32>
      %eq3A_685 = arith.constant 8 : i32
      %eq3A_686 = vector.broadcast %eq3A_685 : i32 to vector<16xi32>
      %eq3A_687 = arith.cmpi eq, %iota3A, %eq3A_686 : vector<16xi32>
      %broadcast_in_dim3A_688 = vector.broadcast %reduce_sum3A_684 : f32 to vector<16xf32>
      %select_n3A_689 = arith.select %eq3A_687, %broadcast_in_dim3A_688, %select_n3A_645 : vector<16xi1>, vector<16xf32>
      %mul3A_690 = arith.constant 16 : i32
      %mul3A_691 = arith.muli %scan3A_296, %mul3A_690 : i32
      %add3A_692 = arith.constant 9 : i32
      %add3A_693 = arith.addi %mul3A_691, %add3A_692 : i32
      %get3A_694 = arith.index_cast %add3A_693 : i32 to index
      %get3A_695 = arith.constant 0 : index
      %get3A_696 = tpu.vector_load %arg11[%get3A_694, %get3A_695] {strides = array<i32>} : memref<512x64xf32, #tpu.memory_space<vmem>>, vector<16xf32>,
      %get3A_697 = arith.index_cast %add3A_693 : i32 to index
      %get3A_698 = arith.constant 0 : index
      %get3A_699 = tpu.vector_load %arg12[%get3A_697, %get3A_698] {strides = array<i32>} : memref<512x64xf32, #tpu.memory_space<vmem>>, vector<16xf32>,
      %mul3A_700 = arith.mulf %get3A_696, %get3A_699 : vector<16xf32>
      %get3A_701 = arith.index_cast %add3A_693 : i32 to index
      %get3A_702 = arith.constant 16 : index
      %get3A_703 = tpu.vector_load %arg11[%get3A_701, %get3A_702] {strides = array<i32>} : memref<512x64xf32, #tpu.memory_space<vmem>>, vector<16xf32>,
      %get3A_704 = arith.index_cast %add3A_693 : i32 to index
      %get3A_705 = arith.constant 16 : index
      %get3A_706 = tpu.vector_load %arg12[%get3A_704, %get3A_705] {strides = array<i32>} : memref<512x64xf32, #tpu.memory_space<vmem>>, vector<16xf32>,
      %mul3A_707 = arith.mulf %get3A_703, %get3A_706 : vector<16xf32>
      %add3A_708 = arith.addf %mul3A_700, %mul3A_707 : vector<16xf32>
      %get3A_709 = arith.index_cast %add3A_693 : i32 to index
      %get3A_710 = arith.constant 32 : index
      %get3A_711 = tpu.vector_load %arg11[%get3A_709, %get3A_710] {strides = array<i32>} : memref<512x64xf32, #tpu.memory_space<vmem>>, vector<16xf32>,
      %get3A_712 = arith.index_cast %add3A_693 : i32 to index
      %get3A_713 = arith.constant 32 : index
      %get3A_714 = tpu.vector_load %arg12[%get3A_712, %get3A_713] {strides = array<i32>} : memref<512x64xf32, #tpu.memory_space<vmem>>, vector<16xf32>,
      %mul3A_715 = arith.mulf %get3A_711, %get3A_714 : vector<16xf32>
      %add3A_716 = arith.addf %add3A_708, %mul3A_715 : vector<16xf32>
      %get3A_717 = arith.index_cast %add3A_693 : i32 to index
      %get3A_718 = arith.constant 48 : index
      %get3A_719 = tpu.vector_load %arg11[%get3A_717, %get3A_718] {strides = array<i32>} : memref<512x64xf32, #tpu.memory_space<vmem>>, vector<16xf32>,
      %get3A_720 = arith.index_cast %add3A_693 : i32 to index
      %get3A_721 = arith.constant 48 : index
      %get3A_722 = tpu.vector_load %arg12[%get3A_720, %get3A_721] {strides = array<i32>} : memref<512x64xf32, #tpu.memory_space<vmem>>, vector<16xf32>,
      %mul3A_723 = arith.mulf %get3A_719, %get3A_722 : vector<16xf32>
      %add3A_724 = arith.addf %add3A_716, %mul3A_723 : vector<16xf32>
      %reduce_sum3A_725 = arith.constant true
      %reduce_sum3A_726 = vector.broadcast %reduce_sum3A_725 : i1 to vector<16xi1>
      %reduce_sum3A_727 = tpu.scan <sum>, %add3A_724 masked %reduce_sum3A_726 : vector<16xf32>, vector<16xi1> -> vector<16xf32>
      %reduce_sum3A_728 = vector.extract %reduce_sum3A_727[15] : f32 from vector<16xf32>
      %eq3A_729 = arith.constant 9 : i32
      %eq3A_730 = vector.broadcast %eq3A_729 : i32 to vector<16xi32>
      %eq3A_731 = arith.cmpi eq, %iota3A, %eq3A_730 : vector<16xi32>
      %broadcast_in_dim3A_732 = vector.broadcast %reduce_sum3A_728 : f32 to vector<16xf32>
      %select_n3A_733 = arith.select %eq3A_731, %broadcast_in_dim3A_732, %select_n3A_689 : vector<16xi1>, vector<16xf32>
      %mul3A_734 = arith.constant 16 : i32
      %mul3A_735 = arith.muli %scan3A_296, %mul3A_734 : i32
      %add3A_736 = arith.constant 10 : i32
      %add3A_737 = arith.addi %mul3A_735, %add3A_736 : i32
      %get3A_738 = arith.index_cast %add3A_737 : i32 to index
      %get3A_739 = arith.constant 0 : index
      %get3A_740 = tpu.vector_load %arg11[%get3A_738, %get3A_739] {strides = array<i32>} : memref<512x64xf32, #tpu.memory_space<vmem>>, vector<16xf32>,
      %get3A_741 = arith.index_cast %add3A_737 : i32 to index
      %get3A_742 = arith.constant 0 : index
      %get3A_743 = tpu.vector_load %arg12[%get3A_741, %get3A_742] {strides = array<i32>} : memref<512x64xf32, #tpu.memory_space<vmem>>, vector<16xf32>,
      %mul3A_744 = arith.mulf %get3A_740, %get3A_743 : vector<16xf32>
      %get3A_745 = arith.index_cast %add3A_737 : i32 to index
      %get3A_746 = arith.constant 16 : index
      %get3A_747 = tpu.vector_load %arg11[%get3A_745, %get3A_746] {strides = array<i32>} : memref<512x64xf32, #tpu.memory_space<vmem>>, vector<16xf32>,
      %get3A_748 = arith.index_cast %add3A_737 : i32 to index
      %get3A_749 = arith.constant 16 : index
      %get3A_750 = tpu.vector_load %arg12[%get3A_748, %get3A_749] {strides = array<i32>} : memref<512x64xf32, #tpu.memory_space<vmem>>, vector<16xf32>,
      %mul3A_751 = arith.mulf %get3A_747, %get3A_750 : vector<16xf32>
      %add3A_752 = arith.addf %mul3A_744, %mul3A_751 : vector<16xf32>
      %get3A_753 = arith.index_cast %add3A_737 : i32 to index
      %get3A_754 = arith.constant 32 : index
      %get3A_755 = tpu.vector_load %arg11[%get3A_753, %get3A_754] {strides = array<i32>} : memref<512x64xf32, #tpu.memory_space<vmem>>, vector<16xf32>,
      %get3A_756 = arith.index_cast %add3A_737 : i32 to index
      %get3A_757 = arith.constant 32 : index
      %get3A_758 = tpu.vector_load %arg12[%get3A_756, %get3A_757] {strides = array<i32>} : memref<512x64xf32, #tpu.memory_space<vmem>>, vector<16xf32>,
      %mul3A_759 = arith.mulf %get3A_755, %get3A_758 : vector<16xf32>
      %add3A_760 = arith.addf %add3A_752, %mul3A_759 : vector<16xf32>
      %get3A_761 = arith.index_cast %add3A_737 : i32 to index
      %get3A_762 = arith.constant 48 : index
      %get3A_763 = tpu.vector_load %arg11[%get3A_761, %get3A_762] {strides = array<i32>} : memref<512x64xf32, #tpu.memory_space<vmem>>, vector<16xf32>,
      %get3A_764 = arith.index_cast %add3A_737 : i32 to index
      %get3A_765 = arith.constant 48 : index
      %get3A_766 = tpu.vector_load %arg12[%get3A_764, %get3A_765] {strides = array<i32>} : memref<512x64xf32, #tpu.memory_space<vmem>>, vector<16xf32>,
      %mul3A_767 = arith.mulf %get3A_763, %get3A_766 : vector<16xf32>
      %add3A_768 = arith.addf %add3A_760, %mul3A_767 : vector<16xf32>
      %reduce_sum3A_769 = arith.constant true
      %reduce_sum3A_770 = vector.broadcast %reduce_sum3A_769 : i1 to vector<16xi1>
      %reduce_sum3A_771 = tpu.scan <sum>, %add3A_768 masked %reduce_sum3A_770 : vector<16xf32>, vector<16xi1> -> vector<16xf32>
      %reduce_sum3A_772 = vector.extract %reduce_sum3A_771[15] : f32 from vector<16xf32>
      %eq3A_773 = arith.constant 10 : i32
      %eq3A_774 = vector.broadcast %eq3A_773 : i32 to vector<16xi32>
      %eq3A_775 = arith.cmpi eq, %iota3A, %eq3A_774 : vector<16xi32>
      %broadcast_in_dim3A_776 = vector.broadcast %reduce_sum3A_772 : f32 to vector<16xf32>
      %select_n3A_777 = arith.select %eq3A_775, %broadcast_in_dim3A_776, %select_n3A_733 : vector<16xi1>, vector<16xf32>
      %mul3A_778 = arith.constant 16 : i32
      %mul3A_779 = arith.muli %scan3A_296, %mul3A_778 : i32
      %add3A_780 = arith.constant 11 : i32
      %add3A_781 = arith.addi %mul3A_779, %add3A_780 : i32
      %get3A_782 = arith.index_cast %add3A_781 : i32 to index
      %get3A_783 = arith.constant 0 : index
      %get3A_784 = tpu.vector_load %arg11[%get3A_782, %get3A_783] {strides = array<i32>} : memref<512x64xf32, #tpu.memory_space<vmem>>, vector<16xf32>,
      %get3A_785 = arith.index_cast %add3A_781 : i32 to index
      %get3A_786 = arith.constant 0 : index
      %get3A_787 = tpu.vector_load %arg12[%get3A_785, %get3A_786] {strides = array<i32>} : memref<512x64xf32, #tpu.memory_space<vmem>>, vector<16xf32>,
      %mul3A_788 = arith.mulf %get3A_784, %get3A_787 : vector<16xf32>
      %get3A_789 = arith.index_cast %add3A_781 : i32 to index
      %get3A_790 = arith.constant 16 : index
      %get3A_791 = tpu.vector_load %arg11[%get3A_789, %get3A_790] {strides = array<i32>} : memref<512x64xf32, #tpu.memory_space<vmem>>, vector<16xf32>,
      %get3A_792 = arith.index_cast %add3A_781 : i32 to index
      %get3A_793 = arith.constant 16 : index
      %get3A_794 = tpu.vector_load %arg12[%get3A_792, %get3A_793] {strides = array<i32>} : memref<512x64xf32, #tpu.memory_space<vmem>>, vector<16xf32>,
      %mul3A_795 = arith.mulf %get3A_791, %get3A_794 : vector<16xf32>
      %add3A_796 = arith.addf %mul3A_788, %mul3A_795 : vector<16xf32>
      %get3A_797 = arith.index_cast %add3A_781 : i32 to index
      %get3A_798 = arith.constant 32 : index
      %get3A_799 = tpu.vector_load %arg11[%get3A_797, %get3A_798] {strides = array<i32>} : memref<512x64xf32, #tpu.memory_space<vmem>>, vector<16xf32>,
      %get3A_800 = arith.index_cast %add3A_781 : i32 to index
      %get3A_801 = arith.constant 32 : index
      %get3A_802 = tpu.vector_load %arg12[%get3A_800, %get3A_801] {strides = array<i32>} : memref<512x64xf32, #tpu.memory_space<vmem>>, vector<16xf32>,
      %mul3A_803 = arith.mulf %get3A_799, %get3A_802 : vector<16xf32>
      %add3A_804 = arith.addf %add3A_796, %mul3A_803 : vector<16xf32>
      %get3A_805 = arith.index_cast %add3A_781 : i32 to index
      %get3A_806 = arith.constant 48 : index
      %get3A_807 = tpu.vector_load %arg11[%get3A_805, %get3A_806] {strides = array<i32>} : memref<512x64xf32, #tpu.memory_space<vmem>>, vector<16xf32>,
      %get3A_808 = arith.index_cast %add3A_781 : i32 to index
      %get3A_809 = arith.constant 48 : index
      %get3A_810 = tpu.vector_load %arg12[%get3A_808, %get3A_809] {strides = array<i32>} : memref<512x64xf32, #tpu.memory_space<vmem>>, vector<16xf32>,
      %mul3A_811 = arith.mulf %get3A_807, %get3A_810 : vector<16xf32>
      %add3A_812 = arith.addf %add3A_804, %mul3A_811 : vector<16xf32>
      %reduce_sum3A_813 = arith.constant true
      %reduce_sum3A_814 = vector.broadcast %reduce_sum3A_813 : i1 to vector<16xi1>
      %reduce_sum3A_815 = tpu.scan <sum>, %add3A_812 masked %reduce_sum3A_814 : vector<16xf32>, vector<16xi1> -> vector<16xf32>
      %reduce_sum3A_816 = vector.extract %reduce_sum3A_815[15] : f32 from vector<16xf32>
      %eq3A_817 = arith.constant 11 : i32
      %eq3A_818 = vector.broadcast %eq3A_817 : i32 to vector<16xi32>
      %eq3A_819 = arith.cmpi eq, %iota3A, %eq3A_818 : vector<16xi32>
      %broadcast_in_dim3A_820 = vector.broadcast %reduce_sum3A_816 : f32 to vector<16xf32>
      %select_n3A_821 = arith.select %eq3A_819, %broadcast_in_dim3A_820, %select_n3A_777 : vector<16xi1>, vector<16xf32>
      %mul3A_822 = arith.constant 16 : i32
      %mul3A_823 = arith.muli %scan3A_296, %mul3A_822 : i32
      %add3A_824 = arith.constant 12 : i32
      %add3A_825 = arith.addi %mul3A_823, %add3A_824 : i32
      %get3A_826 = arith.index_cast %add3A_825 : i32 to index
      %get3A_827 = arith.constant 0 : index
      %get3A_828 = tpu.vector_load %arg11[%get3A_826, %get3A_827] {strides = array<i32>} : memref<512x64xf32, #tpu.memory_space<vmem>>, vector<16xf32>,
      %get3A_829 = arith.index_cast %add3A_825 : i32 to index
      %get3A_830 = arith.constant 0 : index
      %get3A_831 = tpu.vector_load %arg12[%get3A_829, %get3A_830] {strides = array<i32>} : memref<512x64xf32, #tpu.memory_space<vmem>>, vector<16xf32>,
      %mul3A_832 = arith.mulf %get3A_828, %get3A_831 : vector<16xf32>
      %get3A_833 = arith.index_cast %add3A_825 : i32 to index
      %get3A_834 = arith.constant 16 : index
      %get3A_835 = tpu.vector_load %arg11[%get3A_833, %get3A_834] {strides = array<i32>} : memref<512x64xf32, #tpu.memory_space<vmem>>, vector<16xf32>,
      %get3A_836 = arith.index_cast %add3A_825 : i32 to index
      %get3A_837 = arith.constant 16 : index
      %get3A_838 = tpu.vector_load %arg12[%get3A_836, %get3A_837] {strides = array<i32>} : memref<512x64xf32, #tpu.memory_space<vmem>>, vector<16xf32>,
      %mul3A_839 = arith.mulf %get3A_835, %get3A_838 : vector<16xf32>
      %add3A_840 = arith.addf %mul3A_832, %mul3A_839 : vector<16xf32>
      %get3A_841 = arith.index_cast %add3A_825 : i32 to index
      %get3A_842 = arith.constant 32 : index
      %get3A_843 = tpu.vector_load %arg11[%get3A_841, %get3A_842] {strides = array<i32>} : memref<512x64xf32, #tpu.memory_space<vmem>>, vector<16xf32>,
      %get3A_844 = arith.index_cast %add3A_825 : i32 to index
      %get3A_845 = arith.constant 32 : index
      %get3A_846 = tpu.vector_load %arg12[%get3A_844, %get3A_845] {strides = array<i32>} : memref<512x64xf32, #tpu.memory_space<vmem>>, vector<16xf32>,
      %mul3A_847 = arith.mulf %get3A_843, %get3A_846 : vector<16xf32>
      %add3A_848 = arith.addf %add3A_840, %mul3A_847 : vector<16xf32>
      %get3A_849 = arith.index_cast %add3A_825 : i32 to index
      %get3A_850 = arith.constant 48 : index
      %get3A_851 = tpu.vector_load %arg11[%get3A_849, %get3A_850] {strides = array<i32>} : memref<512x64xf32, #tpu.memory_space<vmem>>, vector<16xf32>,
      %get3A_852 = arith.index_cast %add3A_825 : i32 to index
      %get3A_853 = arith.constant 48 : index
      %get3A_854 = tpu.vector_load %arg12[%get3A_852, %get3A_853] {strides = array<i32>} : memref<512x64xf32, #tpu.memory_space<vmem>>, vector<16xf32>,
      %mul3A_855 = arith.mulf %get3A_851, %get3A_854 : vector<16xf32>
      %add3A_856 = arith.addf %add3A_848, %mul3A_855 : vector<16xf32>
      %reduce_sum3A_857 = arith.constant true
      %reduce_sum3A_858 = vector.broadcast %reduce_sum3A_857 : i1 to vector<16xi1>
      %reduce_sum3A_859 = tpu.scan <sum>, %add3A_856 masked %reduce_sum3A_858 : vector<16xf32>, vector<16xi1> -> vector<16xf32>
      %reduce_sum3A_860 = vector.extract %reduce_sum3A_859[15] : f32 from vector<16xf32>
      %eq3A_861 = arith.constant 12 : i32
      %eq3A_862 = vector.broadcast %eq3A_861 : i32 to vector<16xi32>
      %eq3A_863 = arith.cmpi eq, %iota3A, %eq3A_862 : vector<16xi32>
      %broadcast_in_dim3A_864 = vector.broadcast %reduce_sum3A_860 : f32 to vector<16xf32>
      %select_n3A_865 = arith.select %eq3A_863, %broadcast_in_dim3A_864, %select_n3A_821 : vector<16xi1>, vector<16xf32>
      %mul3A_866 = arith.constant 16 : i32
      %mul3A_867 = arith.muli %scan3A_296, %mul3A_866 : i32
      %add3A_868 = arith.constant 13 : i32
      %add3A_869 = arith.addi %mul3A_867, %add3A_868 : i32
      %get3A_870 = arith.index_cast %add3A_869 : i32 to index
      %get3A_871 = arith.constant 0 : index
      %get3A_872 = tpu.vector_load %arg11[%get3A_870, %get3A_871] {strides = array<i32>} : memref<512x64xf32, #tpu.memory_space<vmem>>, vector<16xf32>,
      %get3A_873 = arith.index_cast %add3A_869 : i32 to index
      %get3A_874 = arith.constant 0 : index
      %get3A_875 = tpu.vector_load %arg12[%get3A_873, %get3A_874] {strides = array<i32>} : memref<512x64xf32, #tpu.memory_space<vmem>>, vector<16xf32>,
      %mul3A_876 = arith.mulf %get3A_872, %get3A_875 : vector<16xf32>
      %get3A_877 = arith.index_cast %add3A_869 : i32 to index
      %get3A_878 = arith.constant 16 : index
      %get3A_879 = tpu.vector_load %arg11[%get3A_877, %get3A_878] {strides = array<i32>} : memref<512x64xf32, #tpu.memory_space<vmem>>, vector<16xf32>,
      %get3A_880 = arith.index_cast %add3A_869 : i32 to index
      %get3A_881 = arith.constant 16 : index
      %get3A_882 = tpu.vector_load %arg12[%get3A_880, %get3A_881] {strides = array<i32>} : memref<512x64xf32, #tpu.memory_space<vmem>>, vector<16xf32>,
      %mul3A_883 = arith.mulf %get3A_879, %get3A_882 : vector<16xf32>
      %add3A_884 = arith.addf %mul3A_876, %mul3A_883 : vector<16xf32>
      %get3A_885 = arith.index_cast %add3A_869 : i32 to index
      %get3A_886 = arith.constant 32 : index
      %get3A_887 = tpu.vector_load %arg11[%get3A_885, %get3A_886] {strides = array<i32>} : memref<512x64xf32, #tpu.memory_space<vmem>>, vector<16xf32>,
      %get3A_888 = arith.index_cast %add3A_869 : i32 to index
      %get3A_889 = arith.constant 32 : index
      %get3A_890 = tpu.vector_load %arg12[%get3A_888, %get3A_889] {strides = array<i32>} : memref<512x64xf32, #tpu.memory_space<vmem>>, vector<16xf32>,
      %mul3A_891 = arith.mulf %get3A_887, %get3A_890 : vector<16xf32>
      %add3A_892 = arith.addf %add3A_884, %mul3A_891 : vector<16xf32>
      %get3A_893 = arith.index_cast %add3A_869 : i32 to index
      %get3A_894 = arith.constant 48 : index
      %get3A_895 = tpu.vector_load %arg11[%get3A_893, %get3A_894] {strides = array<i32>} : memref<512x64xf32, #tpu.memory_space<vmem>>, vector<16xf32>,
      %get3A_896 = arith.index_cast %add3A_869 : i32 to index
      %get3A_897 = arith.constant 48 : index
      %get3A_898 = tpu.vector_load %arg12[%get3A_896, %get3A_897] {strides = array<i32>} : memref<512x64xf32, #tpu.memory_space<vmem>>, vector<16xf32>,
      %mul3A_899 = arith.mulf %get3A_895, %get3A_898 : vector<16xf32>
      %add3A_900 = arith.addf %add3A_892, %mul3A_899 : vector<16xf32>
      %reduce_sum3A_901 = arith.constant true
      %reduce_sum3A_902 = vector.broadcast %reduce_sum3A_901 : i1 to vector<16xi1>
      %reduce_sum3A_903 = tpu.scan <sum>, %add3A_900 masked %reduce_sum3A_902 : vector<16xf32>, vector<16xi1> -> vector<16xf32>
      %reduce_sum3A_904 = vector.extract %reduce_sum3A_903[15] : f32 from vector<16xf32>
      %eq3A_905 = arith.constant 13 : i32
      %eq3A_906 = vector.broadcast %eq3A_905 : i32 to vector<16xi32>
      %eq3A_907 = arith.cmpi eq, %iota3A, %eq3A_906 : vector<16xi32>
      %broadcast_in_dim3A_908 = vector.broadcast %reduce_sum3A_904 : f32 to vector<16xf32>
      %select_n3A_909 = arith.select %eq3A_907, %broadcast_in_dim3A_908, %select_n3A_865 : vector<16xi1>, vector<16xf32>
      %mul3A_910 = arith.constant 16 : i32
      %mul3A_911 = arith.muli %scan3A_296, %mul3A_910 : i32
      %add3A_912 = arith.constant 14 : i32
      %add3A_913 = arith.addi %mul3A_911, %add3A_912 : i32
      %get3A_914 = arith.index_cast %add3A_913 : i32 to index
      %get3A_915 = arith.constant 0 : index
      %get3A_916 = tpu.vector_load %arg11[%get3A_914, %get3A_915] {strides = array<i32>} : memref<512x64xf32, #tpu.memory_space<vmem>>, vector<16xf32>,
      %get3A_917 = arith.index_cast %add3A_913 : i32 to index
      %get3A_918 = arith.constant 0 : index
      %get3A_919 = tpu.vector_load %arg12[%get3A_917, %get3A_918] {strides = array<i32>} : memref<512x64xf32, #tpu.memory_space<vmem>>, vector<16xf32>,
      %mul3A_920 = arith.mulf %get3A_916, %get3A_919 : vector<16xf32>
      %get3A_921 = arith.index_cast %add3A_913 : i32 to index
      %get3A_922 = arith.constant 16 : index
      %get3A_923 = tpu.vector_load %arg11[%get3A_921, %get3A_922] {strides = array<i32>} : memref<512x64xf32, #tpu.memory_space<vmem>>, vector<16xf32>,
      %get3A_924 = arith.index_cast %add3A_913 : i32 to index
      %get3A_925 = arith.constant 16 : index
      %get3A_926 = tpu.vector_load %arg12[%get3A_924, %get3A_925] {strides = array<i32>} : memref<512x64xf32, #tpu.memory_space<vmem>>, vector<16xf32>,
      %mul3A_927 = arith.mulf %get3A_923, %get3A_926 : vector<16xf32>
      %add3A_928 = arith.addf %mul3A_920, %mul3A_927 : vector<16xf32>
      %get3A_929 = arith.index_cast %add3A_913 : i32 to index
      %get3A_930 = arith.constant 32 : index
      %get3A_931 = tpu.vector_load %arg11[%get3A_929, %get3A_930] {strides = array<i32>} : memref<512x64xf32, #tpu.memory_space<vmem>>, vector<16xf32>,
      %get3A_932 = arith.index_cast %add3A_913 : i32 to index
      %get3A_933 = arith.constant 32 : index
      %get3A_934 = tpu.vector_load %arg12[%get3A_932, %get3A_933] {strides = array<i32>} : memref<512x64xf32, #tpu.memory_space<vmem>>, vector<16xf32>,
      %mul3A_935 = arith.mulf %get3A_931, %get3A_934 : vector<16xf32>
      %add3A_936 = arith.addf %add3A_928, %mul3A_935 : vector<16xf32>
      %get3A_937 = arith.index_cast %add3A_913 : i32 to index
      %get3A_938 = arith.constant 48 : index
      %get3A_939 = tpu.vector_load %arg11[%get3A_937, %get3A_938] {strides = array<i32>} : memref<512x64xf32, #tpu.memory_space<vmem>>, vector<16xf32>,
      %get3A_940 = arith.index_cast %add3A_913 : i32 to index
      %get3A_941 = arith.constant 48 : index
      %get3A_942 = tpu.vector_load %arg12[%get3A_940, %get3A_941] {strides = array<i32>} : memref<512x64xf32, #tpu.memory_space<vmem>>, vector<16xf32>,
      %mul3A_943 = arith.mulf %get3A_939, %get3A_942 : vector<16xf32>
      %add3A_944 = arith.addf %add3A_936, %mul3A_943 : vector<16xf32>
      %reduce_sum3A_945 = arith.constant true
      %reduce_sum3A_946 = vector.broadcast %reduce_sum3A_945 : i1 to vector<16xi1>
      %reduce_sum3A_947 = tpu.scan <sum>, %add3A_944 masked %reduce_sum3A_946 : vector<16xf32>, vector<16xi1> -> vector<16xf32>
      %reduce_sum3A_948 = vector.extract %reduce_sum3A_947[15] : f32 from vector<16xf32>
      %eq3A_949 = arith.constant 14 : i32
      %eq3A_950 = vector.broadcast %eq3A_949 : i32 to vector<16xi32>
      %eq3A_951 = arith.cmpi eq, %iota3A, %eq3A_950 : vector<16xi32>
      %broadcast_in_dim3A_952 = vector.broadcast %reduce_sum3A_948 : f32 to vector<16xf32>
      %select_n3A_953 = arith.select %eq3A_951, %broadcast_in_dim3A_952, %select_n3A_909 : vector<16xi1>, vector<16xf32>
      %mul3A_954 = arith.constant 16 : i32
      %mul3A_955 = arith.muli %scan3A_296, %mul3A_954 : i32
      %add3A_956 = arith.constant 15 : i32
      %add3A_957 = arith.addi %mul3A_955, %add3A_956 : i32
      %get3A_958 = arith.index_cast %add3A_957 : i32 to index
      %get3A_959 = arith.constant 0 : index
      %get3A_960 = tpu.vector_load %arg11[%get3A_958, %get3A_959] {strides = array<i32>} : memref<512x64xf32, #tpu.memory_space<vmem>>, vector<16xf32>,
      %get3A_961 = arith.index_cast %add3A_957 : i32 to index
      %get3A_962 = arith.constant 0 : index
      %get3A_963 = tpu.vector_load %arg12[%get3A_961, %get3A_962] {strides = array<i32>} : memref<512x64xf32, #tpu.memory_space<vmem>>, vector<16xf32>,
      %mul3A_964 = arith.mulf %get3A_960, %get3A_963 : vector<16xf32>
      %get3A_965 = arith.index_cast %add3A_957 : i32 to index
      %get3A_966 = arith.constant 16 : index
      %get3A_967 = tpu.vector_load %arg11[%get3A_965, %get3A_966] {strides = array<i32>} : memref<512x64xf32, #tpu.memory_space<vmem>>, vector<16xf32>,
      %get3A_968 = arith.index_cast %add3A_957 : i32 to index
      %get3A_969 = arith.constant 16 : index
      %get3A_970 = tpu.vector_load %arg12[%get3A_968, %get3A_969] {strides = array<i32>} : memref<512x64xf32, #tpu.memory_space<vmem>>, vector<16xf32>,
      %mul3A_971 = arith.mulf %get3A_967, %get3A_970 : vector<16xf32>
      %add3A_972 = arith.addf %mul3A_964, %mul3A_971 : vector<16xf32>
      %get3A_973 = arith.index_cast %add3A_957 : i32 to index
      %get3A_974 = arith.constant 32 : index
      %get3A_975 = tpu.vector_load %arg11[%get3A_973, %get3A_974] {strides = array<i32>} : memref<512x64xf32, #tpu.memory_space<vmem>>, vector<16xf32>,
      %get3A_976 = arith.index_cast %add3A_957 : i32 to index
      %get3A_977 = arith.constant 32 : index
      %get3A_978 = tpu.vector_load %arg12[%get3A_976, %get3A_977] {strides = array<i32>} : memref<512x64xf32, #tpu.memory_space<vmem>>, vector<16xf32>,
      %mul3A_979 = arith.mulf %get3A_975, %get3A_978 : vector<16xf32>
      %add3A_980 = arith.addf %add3A_972, %mul3A_979 : vector<16xf32>
      %get3A_981 = arith.index_cast %add3A_957 : i32 to index
      %get3A_982 = arith.constant 48 : index
      %get3A_983 = tpu.vector_load %arg11[%get3A_981, %get3A_982] {strides = array<i32>} : memref<512x64xf32, #tpu.memory_space<vmem>>, vector<16xf32>,
      %get3A_984 = arith.index_cast %add3A_957 : i32 to index
      %get3A_985 = arith.constant 48 : index
      %get3A_986 = tpu.vector_load %arg12[%get3A_984, %get3A_985] {strides = array<i32>} : memref<512x64xf32, #tpu.memory_space<vmem>>, vector<16xf32>,
      %mul3A_987 = arith.mulf %get3A_983, %get3A_986 : vector<16xf32>
      %add3A_988 = arith.addf %add3A_980, %mul3A_987 : vector<16xf32>
      %reduce_sum3A_989 = arith.constant true
      %reduce_sum3A_990 = vector.broadcast %reduce_sum3A_989 : i1 to vector<16xi1>
      %reduce_sum3A_991 = tpu.scan <sum>, %add3A_988 masked %reduce_sum3A_990 : vector<16xf32>, vector<16xi1> -> vector<16xf32>
      %reduce_sum3A_992 = vector.extract %reduce_sum3A_991[15] : f32 from vector<16xf32>
      %eq3A_993 = arith.constant 15 : i32
      %eq3A_994 = vector.broadcast %eq3A_993 : i32 to vector<16xi32>
      %eq3A_995 = arith.cmpi eq, %iota3A, %eq3A_994 : vector<16xi32>
      %broadcast_in_dim3A_996 = vector.broadcast %reduce_sum3A_992 : f32 to vector<16xf32>
      %select_n3A_997 = arith.select %eq3A_995, %broadcast_in_dim3A_996, %select_n3A_953 : vector<16xi1>, vector<16xf32>
      %mul3A_998 = arith.constant 16 : i32
      %mul3A_999 = arith.muli %scan3A_296, %mul3A_998 : i32
      %get3A_1000 = arith.index_cast %mul3A_999 : i32 to index
      %get3A_1001 = tpu.vector_load %arg13[%get3A_1000] {strides = array<i32>} : memref<512xf32, #tpu.memory_space<vmem>>, vector<16xf32>,
      %add3A_1002 = arith.addf %select_n3A_997, %get3A_1001 : vector<16xf32>
      %get3A_1003 = arith.index_cast %mul3A_999 : i32 to index
      %get3A_1004 = tpu.vector_load %arg14[%get3A_1003] {strides = array<i32>} : memref<512xf32, #tpu.memory_space<vmem>>, vector<16xf32>,
      %add3A_1005 = arith.addf %add3A_1002, %get3A_1004 : vector<16xf32>
      %neg3A = arith.constant 0.000000e+00 : f32
      %neg3A_1006 = vector.broadcast %neg3A : f32 to vector<16xf32>
      %neg3A_1007 = arith.subf %neg3A_1006, %add3A_1005 : vector<16xf32>
      %exp3A = math.exp %neg3A_1007 : vector<16xf32>
      %add3A_1008 = arith.constant 1.000000e+00 : f32
      %add3A_1009 = vector.broadcast %add3A_1008 : f32 to vector<16xf32>
      %add3A_1010 = arith.addf %add3A_1009, %exp3A : vector<16xf32>
      %div3A = arith.constant 1.000000e+00 : f32
      %div3A_1011 = vector.broadcast %div3A : f32 to vector<16xf32>
      %div3A_1012 = arith.divf %div3A_1011, %add3A_1010 : vector<16xf32>
      %swap3A = arith.index_cast %mul3A_999 : i32 to index
      %swap3A_1013 = tpu.vector_load %arg15[%swap3A] {strides = array<i32>} : memref<512xf32, #tpu.memory_space<vmem>>, vector<16xf32>,
      tpu.vector_store %arg15[%swap3A], %div3A_1012 {strides = array<i32>} : memref<512xf32, #tpu.memory_space<vmem>>, vector<16xf32>,
    }
    %scan3A_295 = arith.constant 32 : i32
    "tpu.region"() ({
      %run_scoped3A = tpu.sem_alloc : memref<!tpu.dma_semaphore, #tpu.memory_space<semaphore_mem>>
      %dma_start3A_296 = tpu.memref_slice %arg8[%mul3A_4] : memref<16384xf32, #tpu.memory_space<hbm>> -> memref<512xf32, #tpu.memory_space<hbm>>
      %dma_start3A_297 = tpu.memref_slice %arg8[%mul3A_4] : memref<16384xf32, #tpu.memory_space<hbm>> -> memref<512xf32, #tpu.memory_space<hbm>>
      tpu.enqueue_dma source(%arg15 : memref<512xf32, #tpu.memory_space<vmem>>) target(%dma_start3A_297 : memref<512xf32, #tpu.memory_space<hbm>>) target_semaphore(%run_scoped3A : memref<!tpu.dma_semaphore, #tpu.memory_space<semaphore_mem>>)
      %dma_wait3A_298 = tpu.memref_slice %arg8[%mul3A_4] : memref<16384xf32, #tpu.memory_space<hbm>> -> memref<512xf32, #tpu.memory_space<hbm>>
      %dma_wait3A_299 = tpu.memref_slice %arg8[%mul3A_4] : memref<16384xf32, #tpu.memory_space<hbm>> -> memref<512xf32, #tpu.memory_space<hbm>>
      tpu.wait_dma2 semaphore(%run_scoped3A : memref<!tpu.dma_semaphore, #tpu.memory_space<semaphore_mem>>) src(%arg15 : memref<512xf32, #tpu.memory_space<vmem>>) dst(%dma_wait3A_299 : memref<512xf32, #tpu.memory_space<hbm>>)
      tpu.yield
    }) : () -> ()
    return
  }
}

</mosaic_0001>

<sc_bundles>
// kernel: kernel.3.cloned.1.call-start
scs
__scs_entry_jumppad:
0x0: {  	(pc) =	sbr.rel $0x88, $3  }
0x1: {  	(tag) =	ssettag $0x0;
	lr =	simm.s32 $0x1  }
0x2: {  	[smem:$0x3F9B] =	sst lr;
	_ =	strace $0xD0000000  }
0x3: {  	_ = 	snop  }
0x4: {  	_ = 	snop  }
0x5: {  	_ = 	snop  }
0x6: {  	_ = 	snop  }
0x7: {  	_ = 	snop  }
__scs_overlays_trampoline_lowered:
0x8: {  	[smem:$0x3FAA] =	sst s0  }
0x9: {  	[smem:$0x3FAB] =	sst s1  }
0xa: {  	[smem:$0x3FAC] =	sst s2  }
0xb: {  	[smem:$0x3FAD] =	sst s3  }
0xc: {  	[smem:$0x3FAE] =	sst s4  }
0xd: {  	[smem:$0x3FAF] =	sst s5  }
0xe: {  	[smem:$0x3FB0] =	sst s6  }
0xf: {  	[smem:$0x3FB1] =	sst s7  }
0x10: {  	[smem:$0x3FB2] =	sst s8  }
0x11: {  	[smem:$0x3FB3] =	sst s9;
	s0 =	simm.s32 @!p0 $0x0  }
0x12: {  	s1 =	sld [smem:$0x3F99];
	s0 =	simm.s32 @p0 $0x1  }
0x13: {  	[smem:$0x3FB4] =	sst s0;
	s0 =	simm.s32 @!p1 $0x0  }
0x14: {  	s2 =	sld [smem:$0x3F98];
	s0 =	simm.s32 @p1 $0x1  }
0x15: {  	[smem:$0x3FB5] =	sst s0;
	s0 =	simm.s32 @!p2 $0x0  }
0x16: {  	s3 =	sld [smem:$0x3FDB];
	s0 =	simm.s32 @p2 $0x1  }
0x17: {  	s4 =	simm.s32 $0x1BF5;
	[smem:$0x3FB7] =	sst s0  }
0x18: {  	s0 =	sld [smem:$0x3F9A];
	_ =	swait.ge [sflag:s4], $0x0  }
0x19: {  	s7 =	sld [smem:$0x3F9B]  }
0x1a: {  	s8 =	sadd.s32 $0xFFFFE003, lr  }
0x1b: {  	s9 =	sadd.s32 $0xFFFFFEF7, lr;
	s5 =	simm.s32 $0xFFFFFFFF;
	p2 =	slt.u32 s8, $0xFFFFF086  }
0x1c: {  	p1 =	slt.u32 s9, $0xF7A;
	s5 =	simm.s32 @!p2 $0x0  }
0x1d: {  	s5 =	simm.s32 @p1 $0x1;
	p0 =	seq.s32 s7, s2  }
0x1e: {  	s7 =	smul.u32 @!p0 $0xF7A, s2;
	p2 =	seq.s32 @!p0 s5, $0x0  }
0x1f: {  	s9 =	smul.u32 $0xF7A, s1;
	s8 =	simm.s32 @!p0 $0x1BF5;
	p2 =	por !p2, p0  }
0x20: {  	[sflag:s8] =	ssyncset.s32 @!p0 $0xFFFFF086;
	s6 =	sadd.s32 @!p0 s3, s7;
	s7 =	simm.s32 @!p0 $0x108  }
0x21: {  	s3 =	sadd.s32 s3, s9;
	s6 =	sadd.s32 @!p0 $0x88, s6;
	s7 =	simm.s32 @p2 $0x1082  }
0x22: {  	[simem:s7], [sflag:s8] =	dma.local @!p0 [hbm:s6], $0xF7A  }
0x23: {  	s9 =	sor.u32 $0xD0000000, s2;
	s6 =	simm.s32 $0x108;
	_ =	swait.ge @!p0 [sflag:s8], $0x0  }
0x24: {  	s3 =	sadd.s32 $0x88, s3;
	s6 =	simm.s32 @!p1 $0x1082;
	[sflag:s4] =	ssyncset.s32 $0xFFFFF086  }
0x25: {  	[simem:s6], [sflag:s4] =	dma.local [hbm:s3], $0xF7A  }
0x26: {  	[smem:$0x3F9B] =	sst s1;
	(tag) =	ssettag s2;
	_ =	strace s9  }
0x27: {  	s1 =	sld [smem:$0x3FAB]  }
0x28: {  	s2 =	sld [smem:$0x3FAC]  }
0x29: {  	s4 =	sld [smem:$0x3FAE]  }
0x2a: {  	p0 =	seq.s32 s5, $0x0;
	s5 =	sld [smem:$0x3FAF]  }
0x2b: {  	s6 =	sld [smem:$0x3FB0]  }
0x2c: {  	s7 =	sld [smem:$0x3FB1]  }
0x2d: {  	s3 =	simm.s32 $0x108;
	s8 =	sld [smem:$0x3FB2]  }
0x2e: {  	s3 =	simm.s32 @!p0 $0x1082;
	s9 =	sld [smem:$0x3FB3]  }
0x2f: {  	lr =	sadd.s32 s0, s3;
	s0 =	sld [smem:$0x3FAA]  }
0x30: {  	s3 =	sld [smem:$0x3FAD]  }
0x31: {  	[smem:$0x3FB6] =	sst s10  }
0x32: {  	s10 =	sld [smem:$0x3FB4];
	_ =	sdelay $0x3  }
0x33: {  	p0 =	seq.s32 s10, $0x1;
	s10 =	sld [smem:$0x3FB6];
	_ =	sdelay $0x3  }
0x34: {  	[smem:$0x3FB6] =	sst s10  }
0x35: {  	s10 =	sld [smem:$0x3FB5];
	_ =	sdelay $0x3  }
0x36: {  	p1 =	seq.s32 s10, $0x1;
	s10 =	sld [smem:$0x3FB6];
	_ =	sdelay $0x3  }
0x37: {  	[smem:$0x3FB6] =	sst s10  }
0x38: {  	s10 =	sld [smem:$0x3FB7]  }
0x39: {  	_ = 	snop;
	(pc) =	sbr.ind lr, $3  }
0x3a: {  	_ = 	snop  }
0x3b: {  	_ = 	snop  }
0x3c: {  	p2 =	seq.s32 s10, $0x1;
	s10 =	sld [smem:$0x3FB6]  }
0x3d: {  	_ =	shalt  }
0x3e: {  	_ =	shalt  }
0x3f: {  	_ =	shalt  }
0x40: {  	_ =	shalt  }
0x41: {  	_ =	shalt  }
0x42: {  	_ =	shalt  }
0x43: {  	_ =	shalt  }
0x44: {  	_ =	shalt  }
0x45: {  	_ =	shalt  }
0x46: {  	_ =	shalt  }
0x47: {  	_ =	shalt  }
0x48: {  	_ =	shalt  }
0x49: {  	_ =	shalt  }
0x4a: {  	_ =	shalt  }
0x4b: {  	_ =	shalt  }
0x4c: {  	_ =	shalt  }
0x4d: {  	_ =	shalt  }
0x4e: {  	_ =	shalt  }
0x4f: {  	_ =	shalt  }
0x50: {  	_ =	shalt  }
0x51: {  	_ =	shalt  }
0x52: {  	_ =	shalt  }
0x53: {  	_ =	shalt  }
0x54: {  	_ =	shalt  }
0x55: {  	_ =	shalt  }
0x56: {  	_ =	shalt  }
0x57: {  	_ =	shalt  }
0x58: {  	_ =	shalt  }
0x59: {  	_ =	shalt  }
0x5a: {  	_ =	shalt  }
0x5b: {  	_ =	shalt  }
0x5c: {  	_ =	shalt  }
0x5d: {  	_ =	shalt  }
0x5e: {  	_ =	shalt  }
0x5f: {  	_ =	shalt  }
0x60: {  	_ =	shalt  }
0x61: {  	_ =	shalt  }
0x62: {  	_ =	shalt  }
0x63: {  	_ =	shalt  }
0x64: {  	_ =	shalt  }
0x65: {  	_ =	shalt  }
0x66: {  	_ =	shalt  }
0x67: {  	_ =	shalt  }
0x68: {  	_ =	shalt  }
0x69: {  	_ =	shalt  }
0x6a: {  	_ =	shalt  }
0x6b: {  	_ =	shalt  }
0x6c: {  	_ =	shalt  }
0x6d: {  	_ =	shalt  }
0x6e: {  	_ =	shalt  }
0x6f: {  	_ =	shalt  }
0x70: {  	_ =	shalt  }
0x71: {  	_ =	shalt  }
0x72: {  	_ =	shalt  }
0x73: {  	_ =	shalt  }
0x74: {  	_ =	shalt  }
0x75: {  	_ =	shalt  }
0x76: {  	_ =	shalt  }
0x77: {  	_ =	shalt  }
0x78: {  	_ =	shalt  }
0x79: {  	_ =	shalt  }
0x7a: {  	_ =	shalt  }
0x7b: {  	_ =	shalt  }
0x7c: {  	_ =	shalt  }
0x7d: {  	_ =	shalt  }
0x7e: {  	_ =	shalt  }
0x7f: {  	_ =	shalt  }
0x80: {  	_ =	shalt  }
0x81: {  	_ =	shalt  }
0x82: {  	_ =	shalt  }
0x83: {  	_ =	shalt  }
0x84: {  	_ =	shalt  }
0x85: {  	_ =	shalt  }
0x86: {  	_ =	shalt  }
0x87: {  	_ =	shalt  }
.Lfunc_end0:
.L_simem_size_0:
called_computation_lowered:
.L_overlay_start_0:
0x88: {  	s2 =	sld [smem:$0x3FD9]  }
0x89: {  	s3 =	sld [smem:$0x3FFE];
	_ =	sdelay $0x1  }
0x8a: {  	s1 =	srdreg.scid  }
0x8b: {  	s0 =	sand.u32 $0x1, s1  }
0x8c: {  	s17 =	sshll.u32 s0, $0xA;
	s2 =	sadd.s32 s3, s2  }
0x8d: {  	s2 =	sadd.s32 s2, s17  }
0x8e: {  	[smem:$0x3FC2] =	sst s2  }
0x8f: {  	_ = 	snop  }
0x90: {  	s2 =	sld [smem:$0x3FC9]  }
0x91: {  	s18 =	sld [smem:$0x3FC8]  }
0x92: {  	s4 =	sld [smem:$0x3FD0];
	(tm) =	ssettm $0x1  }
0x93: {  	s5 =	sld [smem:$0x3FFB];
	_ =	sdelay $0x3  }
0x94: {  	_ =	strace s5  }
0x95: {  	s5 =	sld [smem:$0x3FFC];
	_ =	sdelay $0x3  }
0x96: {  	_ =	strace s5  }
0x97: {  	s5 =	sld [smem:$0x3FFD];
	_ =	sdelay $0x3  }
0x98: {  	_ =	strace s5  }
0x99: {  	_ =	strace $0x8FFFFFFF  }
0x9a: {  	s19 =	sld [smem:$0x3FDB];
	_ =	sdelay $0x1  }
0x9b: {  	s6 =	simm.s32 $_scs_section_size  }
0x9c: {  	s7 =	simm.s32 $_size__tile_overlayer_lowered;
	s8 =	simm.s32 $_tile_overlayer_lowered  }
0x9d: {  	s22 =	simm.s32 $0x1BFF;
	s21 =	sshll.u32 s8, $0x1;
	s5 =	sadd.s32 s6, s19  }
0x9e: {  	s9 =	simm.s32 $0x0;
	s20 =	sshll.u32 s7, $0x1;
	s7 =	sadd.s32 s21, s5  }
0x9f: {  	[timem:s9], [sflag:s22] =	dma.local [hbm:s7], s20  }
0xa0: {  	_ =	swait.ge [sflag:s22], s20  }
0xa1: {  	s6 =	ssub.s32 $0x0, s20;
	[sflag:s22] =	ssyncset.done $0x0  }
0xa2: {  	[sflag:s22] =	ssyncadd.s32 s6;
	_ =	sdelay $0x1  }
0xa3: {  	s23 =	simm.s32 $0x1B8B  }
0xa4: {  	_ =	swait.ge [sflag:s23], $0x1  }
0xa5: {  	[sflag:s23] =	ssyncset.done $0x0  }
0xa6: {  	s25 =	simm.s32 $0x1B8E;
	s24 =	sld [smem:$0x3FFE];
	[sflag:s23] =	ssyncadd.s32 $0xFFFFFFFF  }
0xa7: {  	s26 =	simm.s32 $execute0_lowered;
	[smem:$0x3FD2] =	sst s25  }
0xa8: {  	s7 =	sshll.u32 s26, $0x1;
	_ =	strace $0x80000046;
	[dreg:$0x1] =	wrdreg $0xFFFFFFFF  }
0xa9: {  	s28 =	simm.s32 $_size_execute0_lowered;
	s5 =	sadd.s32 s5, s7;
	[dreg:$0x0] =	wrdreg $0x0  }
0xaa: {  	s7 =	sshll.u32 s28, $0x1;
	[dreg:$0x2] =	wrdreg s5  }
0xab: {  	[dreg:$0x3] =	wrdreg s7  }
0xac: {  	[dreg:$0x4] =	wrdreg $0xC0  }
0xad: {  	_ =	task [dreg:s9], $0x5FFFF  }
0xae: {  	[dreg:$0x1] =	wrdreg $0xFFFFFFFF  }
0xaf: {  	[dreg:$0x0] =	wrdreg $0x60  }
0xb0: {  	[dreg:$0x2] =	wrdreg s2  }
0xb1: {  	[dreg:$0x3] =	wrdreg s18  }
0xb2: {  	[dreg:$0x4] =	wrdreg s24  }
0xb3: {  	[dreg:$0x5] =	wrdreg s4  }
0xb4: {  	[dreg:$0x6] =	wrdreg $0x9  }
0xb5: {  	_ =	task.clear_ibuf [dreg:s9], $0x7FFFF;
	_ =	strace $0x90000046  }
0xb6: {  	s29 =	simm.s32 $0x9;
	_ =	strace $0x80000048  }
0xb7: {  	_ =	swait.ge [sflag:s29], $0x1  }
0xb8: {  	[sflag:s29] =	ssyncadd.s32 $0xFFFFFFFF  }
0xb9: {  	_ =	strace $0x90000048  }
0xba: {  	_ =	sfence  }
0xbb: {  	s30 =	sld [smem:$0x0];
	_ =	sdelay $0x2  }
0xbc: {  	s31 =	sshll.u32 s1, $0xD;
	s1 =	sshrl.u32 s1, $0x2  }
0xbd: {  	s3 =	sand.u32 $0x4000, s31;
	s1 =	sadd.s32 s1, s30  }
0xbe: {  	s0 =	sor.u32 s3, s0;
	s1 =	sshll.u32 s1, $0x11  }
0xbf: {  	s0 =	sor.u32 s1, s0  }
0xc0: {  	s0 =	sadd.s32 $0x8F2B, s0  }
0xc1: {  	[sflag:s0] =	ssyncadd.remote.s32 $0x1  }
0xc2: {  	_ =	sfence.sel $0xFFFF  }
0xc3: {  	[dreg:$0x0] =	wrdreg $0xFFFFFFFF;
	(pc) =	sbr.abs _section_cstart, $3  }
0xc4: {  	[dreg:$0x1] =	wrdreg $0xFFFFFFFF  }
0xc5: {  	_ =	task.clear_ibuf [dreg:s9], $0x2FFFF;
	_ =	strace $0x9FFFFFFF  }
0xc6: {  	(tm) =	ssettm $0x7FFFFFFF  }
0xc7: {  	_ =	shalt  }
tec
execute0_lowered:
.L_overlay_start_1:
0x0: {  	(tag) =	ssettag $0x1  }
0x1: {  	s0 =	rddreg [dreg:$0x0]  }
0x2: {  	s2 =	rddreg [dreg:$0x1]  }
0x3: {  	s6 =	rddreg [dreg:$0x2]  }
0x4: {  	s9 =	rddreg [dreg:$0x3];
	s1 =	simm.s32 $0x0  }
0x5: {  	s5 =	srdreg.scid;
	s8 =	stileid.u32;
	s12 =	simm.s32 $0x200  }
0x6: {  	s13 =	simm.s32 $0x80;
	s19 =	simm.s32 $0x280;
	s23 =	simm.s32 $0x100  }
0x7: {  	s25 =	simm.s32 $0x300;
	s28 =	simm.s32 $0x10500;
	s29 =	simm.s32 $0x10700  }
0x8: {  	s30 =	simm.s32 $0x180;
	s31 =	simm.s32 $0x6400;
	s14 =	simm.s32 $0x10580  }
0x9: {  	s15 =	simm.s32 $0x10780;
	s16 =	simm.s32 $0x1;
	s17 =	simm.s32 $0x10800  }
0xa: {  	s18 =	simm.s32 $0x0;
	[smem:$0x7FF] =	sst s1;
	s3 =	sadd.s32 $0x24BA00, s6  }
0xb: {  	s4 =	sadd.s32 $0x4C00, s6;
	s5 =	sand.u32 $0x1, s5;
	s8 =	sshll.u32 s8, $0x7  }
0xc: {  	vm0 =	vmmov $0x1;
	vm1 =	vmmov $0x3;
	vm2 =	vmmov $0x7;
	_ =	strace $0x80000047;
	s7 =	ssub.s32 $0x2, s5;
	s10 =	sshll.u32 s5, $0x6  }
0xd: {  	vm3 =	vmmov $0xf;
	vm4 =	vmmov $0x1f;
	vm5 =	vmmov $0x3f;
	s5 =	sadd.s32 $0x188400, s6;
	s11 =	sshrl.u32 s7, $0x1;
	s10 =	sor.u32 s10, s8  }
0xe: {  	vm6 =	vmmov $0x7f;
	vm7 =	vmmov $0xff;
	vm8 =	vmmov $0x1ff;
	s6 =	sadd.s32 $0x1A00, s6;
	s11 =	ssub.s32 s7, s11;
	s7 =	sadd.s32 s0, s10  }
0xf: {  	vm9 =	vmmov $0x3ff;
	vm10 =	vmmov $0x7ff;
	vm11 =	vmmov $0xfff;
	s8 =	sadd.s32 s2, s10;
	s9 =	sadd.s32 s9, s10;
	s0 =	simm.s32 $0x380  }
0x10: {  	vm12 =	vmmov $0x1fff;
	vm13 =	vmmov $0x3fff;
	vm14 =	vmmov $0x7fff;
	s2 =	simm.s32 $0xE400;
	s10 =	smax.u32 s11, $0x1;
	s11 =	simm.s32 $0x2  }
.LBB2_1:
0x11: {  	[tilespmem:s1], [sflag:$0x2] =	stream.linear.gather [hbm4b:s7+s1], $0x200, $0x38;
	[tilespmem:$0x10A00] =	vst v63  }
0x12: {  	_ =	swait.ge [sflag:s11], $0x200  }
0x13: {  	[sflag:s11] =	ssyncset.done $0x0  }
0x14: {  	[sflag:s11] =	ssyncadd.s32 $0xFFFFFE00  }
0x15: {  	[tilespmem:s12], [sflag:$0x2] =	stream.linear.gather [hbm4b:s8+s1], $0x200, $0x38;
	[tilespmem:$0x10A00] =	vst v63  }
0x16: {  	_ =	swait.ge [sflag:s11], $0x200  }
0x17: {  	[sflag:s11] =	ssyncset.done $0x0  }
0x18: {  	s20 =	simm.s32 $0x400;
	[sflag:s11] =	ssyncadd.s32 $0xFFFFFE00  }
0x19: {  	[tilespmem:s20], [sflag:$0x1] =	stream.indirect.gather [hbm4b:s3+s13], $0x40, s1, s13, $0xb8;
	[tilespmem:$0x10A00] =	vst v63  }
0x1a: {  	s26 =	simm.s32 $0x8400  }
0x1b: {  	[tilespmem:s26], [sflag:$0x1] =	stream.indirect.gather [hbm4b:s5+s13], $0x40, s12, s13, $0xb8;
	[tilespmem:$0x10A00] =	vst v63  }
0x1c: {  	s21 =	simm.s32 $0x10400  }
0x1d: {  	[tilespmem:s21], [sflag:$0x1] =	stream.indirect.gather [hbm4b:s4+s13], $0x1, s1, s13, $0xb8;
	[tilespmem:$0x10A00] =	vst v63  }
0x1e: {  	s22 =	simm.s32 $0x10600  }
0x1f: {  	[tilespmem:s22], [sflag:$0x1] =	stream.indirect.gather [hbm4b:s6+s13], $0x1, s12, s13, $0xb8;
	[tilespmem:$0x10A00] =	vst v63  }
0x20: {  	s24 =	simm.s32 $0x2400  }
0x21: {  	[tilespmem:s24], [sflag:$0x1] =	stream.indirect.gather [hbm4b:s3+s13], $0x40, s13, s13, $0xb8;
	[tilespmem:$0x10A00] =	vst v63  }
0x22: {  	s26 =	simm.s32 $0xA400  }
0x23: {  	[tilespmem:s26], [sflag:$0x1] =	stream.indirect.gather [hbm4b:s5+s13], $0x40, s19, s13, $0xb8;
	[tilespmem:$0x10A00] =	vst v63  }
0x24: {  	s21 =	simm.s32 $0x10480  }
0x25: {  	[tilespmem:s21], [sflag:$0x1] =	stream.indirect.gather [hbm4b:s4+s13], $0x1, s13, s13, $0xb8;
	[tilespmem:$0x10A00] =	vst v63  }
0x26: {  	s22 =	simm.s32 $0x10680  }
0x27: {  	[tilespmem:s22], [sflag:$0x1] =	stream.indirect.gather [hbm4b:s6+s13], $0x1, s19, s13, $0xb8;
	[tilespmem:$0x10A00] =	vst v63  }
0x28: {  	s24 =	simm.s32 $0x4400  }
0x29: {  	[tilespmem:s24], [sflag:$0x1] =	stream.indirect.gather [hbm4b:s3+s13], $0x40, s23, s13, $0xb8;
	[tilespmem:$0x10A00] =	vst v63  }
0x2a: {  	s26 =	simm.s32 $0xC400  }
0x2b: {  	[tilespmem:s26], [sflag:$0x1] =	stream.indirect.gather [hbm4b:s5+s13], $0x40, s25, s13, $0xb8;
	[tilespmem:$0x10A00] =	vst v63  }
0x2c: {  	_ = 	snop  }
0x2d: {  	[tilespmem:s28], [sflag:$0x1] =	stream.indirect.gather [hbm4b:s4+s13], $0x1, s23, s13, $0xb8;
	[tilespmem:$0x10A00] =	vst v63  }
0x2e: {  	_ = 	snop  }
0x2f: {  	[tilespmem:s29], [sflag:$0x1] =	stream.indirect.gather [hbm4b:s6+s13], $0x1, s25, s13, $0xb8;
	[tilespmem:$0x10A00] =	vst v63  }
0x30: {  	_ = 	snop  }
0x31: {  	[tilespmem:s31], [sflag:$0x1] =	stream.indirect.gather [hbm4b:s3+s13], $0x40, s30, s13, $0xb8;
	[tilespmem:$0x10A00] =	vst v63  }
0x32: {  	_ = 	snop  }
0x33: {  	[tilespmem:s2], [sflag:$0x1] =	stream.indirect.gather [hbm4b:s5+s13], $0x40, s0, s13, $0xb8;
	[tilespmem:$0x10A00] =	vst v63  }
0x34: {  	_ = 	snop  }
0x35: {  	[tilespmem:s14], [sflag:$0x1] =	stream.indirect.gather [hbm4b:s4+s13], $0x1, s30, s13, $0xb8;
	[tilespmem:$0x10A00] =	vst v63  }
0x36: {  	_ = 	snop  }
0x37: {  	[tilespmem:s15], [sflag:$0x1] =	stream.indirect.gather [hbm4b:s6+s13], $0x1, s0, s13, $0xb8;
	[tilespmem:$0x10A00] =	vst v63  }
0x38: {  	_ =	swait.ge [sflag:s16], $0x2000  }
0x39: {  	[sflag:s16] =	ssyncset.done $0x0  }
0x3a: {  	[sflag:s16] =	ssyncadd.s32 $0xFFFFE000  }
0x3b: {  	_ =	swait.ge [sflag:s16], $0x2000  }
0x3c: {  	[sflag:s16] =	ssyncset.done $0x0  }
0x3d: {  	[sflag:s16] =	ssyncadd.s32 $0xFFFFE000  }
0x3e: {  	_ =	swait.ge [sflag:s16], $0x80  }
0x3f: {  	[sflag:s16] =	ssyncset.done $0x0  }
0x40: {  	[sflag:s16] =	ssyncadd.s32 $0xFFFFFF80  }
0x41: {  	_ =	swait.ge [sflag:s16], $0x80  }
0x42: {  	[sflag:s16] =	ssyncset.done $0x0  }
0x43: {  	[sflag:s16] =	ssyncadd.s32 $0xFFFFFF80  }
0x44: {  	_ =	swait.ge [sflag:s16], $0x2000  }
0x45: {  	[sflag:s16] =	ssyncset.done $0x0  }
0x46: {  	[sflag:s16] =	ssyncadd.s32 $0xFFFFE000  }
0x47: {  	_ =	swait.ge [sflag:s16], $0x2000  }
0x48: {  	[sflag:s16] =	ssyncset.done $0x0  }
0x49: {  	[sflag:s16] =	ssyncadd.s32 $0xFFFFE000  }
0x4a: {  	_ =	swait.ge [sflag:s16], $0x80  }
0x4b: {  	[sflag:s16] =	ssyncset.done $0x0  }
0x4c: {  	[sflag:s16] =	ssyncadd.s32 $0xFFFFFF80  }
0x4d: {  	_ =	swait.ge [sflag:s16], $0x80  }
0x4e: {  	[sflag:s16] =	ssyncset.done $0x0  }
0x4f: {  	[sflag:s16] =	ssyncadd.s32 $0xFFFFFF80  }
0x50: {  	_ =	swait.ge [sflag:s16], $0x2000  }
0x51: {  	[sflag:s16] =	ssyncset.done $0x0  }
0x52: {  	[sflag:s16] =	ssyncadd.s32 $0xFFFFE000  }
0x53: {  	_ =	swait.ge [sflag:s16], $0x2000  }
0x54: {  	[sflag:s16] =	ssyncset.done $0x0  }
0x55: {  	[sflag:s16] =	ssyncadd.s32 $0xFFFFE000  }
0x56: {  	_ =	swait.ge [sflag:s16], $0x80  }
0x57: {  	[sflag:s16] =	ssyncset.done $0x0  }
0x58: {  	[sflag:s16] =	ssyncadd.s32 $0xFFFFFF80  }
0x59: {  	_ =	swait.ge [sflag:s16], $0x80  }
0x5a: {  	[sflag:s16] =	ssyncset.done $0x0  }
0x5b: {  	[sflag:s16] =	ssyncadd.s32 $0xFFFFFF80  }
0x5c: {  	_ =	swait.ge [sflag:s16], $0x2000  }
0x5d: {  	[sflag:s16] =	ssyncset.done $0x0  }
0x5e: {  	[sflag:s16] =	ssyncadd.s32 $0xFFFFE000  }
0x5f: {  	_ =	swait.ge [sflag:s16], $0x2000  }
0x60: {  	[sflag:s16] =	ssyncset.done $0x0  }
0x61: {  	[sflag:s16] =	ssyncadd.s32 $0xFFFFE000  }
0x62: {  	_ =	swait.ge [sflag:s16], $0x80  }
0x63: {  	[sflag:s16] =	ssyncset.done $0x0  }
0x64: {  	[sflag:s16] =	ssyncadd.s32 $0xFFFFFF80  }
0x65: {  	_ =	swait.ge [sflag:s16], $0x80  }
0x66: {  	[sflag:s16] =	ssyncset.done $0x0  }
0x67: {  	s21 =	simm.s32 $0x600;
	[sflag:s16] =	ssyncadd.s32 $0xFFFFFF80  }
0x68: {  	s20 =	simm.s32 $0x8600;
	v5 =	vld [tilespmem:s21+$0x1B0]  }
0x69: {  	v7 =	vld [tilespmem:s20+$0x1B0]  }
0x6a: {  	v0 =	vld [tilespmem:s21+$0x1C0]  }
0x6b: {  	v49 =	vld [tilespmem:s20+$0x1C0]  }
0x6c: {  	v50 =	vld [tilespmem:s21+$0x1D0]  }
0x6d: {  	v51 =	vld [tilespmem:s20+$0x1D0]  }
0x6e: {  	v52 =	vld [tilespmem:s21+$0x1A0]  }
0x6f: {  	v63 =	vld [tilespmem:s20+$0x1A0]  }
0x70: {  	v13 =	vld [tilespmem:s21+$0x130]  }
0x71: {  	v14 =	vld [tilespmem:s20+$0x130]  }
0x72: {  	v53 =	vld [tilespmem:s21+$0x160]  }
0x73: {  	v30 =	vld [tilespmem:s21+$0x180]  }
0x74: {  	v31 =	vld [tilespmem:s20+$0x180]  }
0x75: {  	v32 =	vld [tilespmem:s21+$0x190]  }
0x76: {  	v29 =	vld [tilespmem:s20+$0x190]  }
0x77: {  	v20 =	vld [tilespmem:s21+$0xF0]  }
0x78: {  	v54 =	vld [tilespmem:s21+$0x120]  }
0x79: {  	v55 =	vld [tilespmem:s20+$0x120]  }
0x7a: {  	v56 =	vld [tilespmem:s21+$0x140]  }
0x7b: {  	v57 =	vld [tilespmem:s20+$0x140]  }
0x7c: {  	v58 =	vld [tilespmem:s21+$0x150]  }
0x7d: {  	v59 =	vld [tilespmem:s20+$0x150]  }
0x7e: {  	v62 =	vld [tilespmem:s21+$0xE0]  }
0x7f: {  	v33 =	vld [tilespmem:s20+$0xE0]  }
0x80: {  	v42 =	vld [tilespmem:s21+$0x100]  }
0x81: {  	v43 =	vld [tilespmem:s20+$0x100]  }
0x82: {  	v44 =	vld [tilespmem:s21+$0x110]  }
0x83: {  	v45 =	vld [tilespmem:s20+$0x110]  }
0x84: {  	v6 =	vld [tilespmem:s21+$0x70]  }
0x85: {  	v8 =	vld [tilespmem:s20+$0x70]  }
0x86: {  	v60 =	vld [tilespmem:s21+$0xA0]  }
0x87: {  	v48 =	vld [tilespmem:s21+$0xC0]  }
0x88: {  	v1 =	vld [tilespmem:s20+$0xC0]  }
0x89: {  	v2 =	vld [tilespmem:s21+$0xD0]  }
0x8a: {  	v3 =	vld [tilespmem:s21+$0x30]  }
0x8b: {  	v4 =	vld [tilespmem:s20+$0x30]  }
0x8c: {  	v34 =	vld [tilespmem:s21+$0x60]  }
0x8d: {  	v61 =	vld [tilespmem:s21+$0x80]  }
0x8e: {  	v9 =	vld [tilespmem:s20+$0x80]  }
0x8f: {  	v10 =	vld [tilespmem:s21+$0x90]  }
0x90: {  	v11 =	vld [tilespmem:s20+$0x90]  }
0x91: {  	v35 =	vld [tilespmem:s21+$0x20]  }
0x92: {  	v36 =	vld [tilespmem:s20+$0x20]  }
0x93: {  	v23 =	vld [tilespmem:s21+$0xFFFFFFB0]  }
0x94: {  	v37 =	vld [tilespmem:s20+$0xFFFFFFB0]  }
0x95: {  	v38 =	vld [tilespmem:s21+$0xFFFFFFE0]  }
0x96: {  	v46 =	vld [tilespmem:s20+$0x0]  }
0x97: {  	v47 =	vld [tilespmem:s21+$0x10]  }
0x98: {  	v41 =	vld [tilespmem:s20+$0x10]  }
0x99: {  	v15 =	vld [tilespmem:s21+$0xFFFFFFC0]  }
0x9a: {  	v16 =	vld [tilespmem:s20+$0xFFFFFFC0]  }
0x9b: {  	v17 =	vld [tilespmem:s21+$0xFFFFFFD0]  }
0x9c: {  	v18 =	vld [tilespmem:s20+$0xFFFFFFD0]  }
0x9d: {  	v39 =	vld [tilespmem:s21+$0xFFFFFF60]  }
0x9e: {  	v40 =	vld [tilespmem:s20+$0xFFFFFF60]  }
0x9f: {  	v22 =	vld [tilespmem:s20+$0xFFFFFF80]  }
0xa0: {  	v21 =	vld [tilespmem:s20+$0xFFFFFF90]  }
0xa1: {  	v12 =	vld [tilespmem:s20+$0xFFFFFEF0]  }
0xa2: {  	v19 =	vld [tilespmem:s21+$0xFFFFFF20]  }
0xa3: {  	v27 =	vld [tilespmem:s21+$0xFFFFFEB0]  }
0xa4: {  	v28 =	vld [tilespmem:s20+$0xFFFFFEB0]  }
0xa5: {  	v24 =	vld [tilespmem:s20+$0xFFFFFF00]  }
0xa6: {  	v25 =	vld [tilespmem:s21+$0xFFFFFF10]  }
0xa7: {  	v26 =	vld [tilespmem:s20+$0xFFFFFF10]  }
0xa8: {  	[tilespmem:$0x1FEA0] =	vst v49;
	v49 =	vld [tilespmem:s20+$0xF0]  }
0xa9: {  	[tilespmem:$0x1FEC0] =	vst v51;
	v51 =	vld [tilespmem:s20+$0xD0]  }
0xaa: {  	[tilespmem:$0x1FFA0] =	vst v55;
	v55 =	vld [tilespmem:s20+$0x60]  }
0xab: {  	[tilespmem:$0x1FF00] =	vst v58;
	v58 =	vld [tilespmem:s21+$0x40]  }
0xac: {  	[tilespmem:$0x1FF10] =	vst v59;
	v59 =	vld [tilespmem:s20+$0x40]  }
0xad: {  	[tilespmem:$0x1FF20] =	vst v60;
	v60 =	vld [tilespmem:s21+$0x50]  }
0xae: {  	[tilespmem:$0x1FF30] =	vst v61;
	v61 =	vld [tilespmem:s20+$0x50]  }
0xaf: {  	[tilespmem:$0x1FF80] =	vst v52;
	v52 =	vld [tilespmem:s21+$0x0]  }
0xb0: {  	[tilespmem:$0x1FF40] =	vst v9;
	v9 =	vld [tilespmem:s21+$0xFFFFFF70]  }
0xb1: {  	[tilespmem:$0x1FF60] =	vst v11;
	v11 =	vld [tilespmem:s20+$0xFFFFFF70]  }
0xb2: {  	[tilespmem:$0x1FF90] =	vst v54;
	v54 =	vld [tilespmem:s21+$0xFFFFFFA0]  }
0xb3: {  	[tilespmem:$0x1FED0] =	vst v53;
	v53 =	vld [tilespmem:s20+$0xFFFFFFA0]  }
0xb4: {  	[tilespmem:$0x1FFC0] =	vst v36;
	v36 =	vld [tilespmem:s21+$0xFFFFFF80]  }
0xb5: {  	[tilespmem:$0x1FFB0] =	vst v35;
	v35 =	vld [tilespmem:s21+$0xFFFFFF90]  }
0xb6: {  	[tilespmem:$0x1FF50] =	vst v10;
	v10 =	vld [tilespmem:s21+$0xFFFFFEF0]  }
0xb7: {  	[tilespmem:$0x1FFF0] =	vst v40;
	v40 =	vld [tilespmem:s21+$0xFFFFFF40]  }
0xb8: {  	[tilespmem:$0x1FF70] =	vst v38;
	v38 =	vld [tilespmem:s20+$0xFFFFFF40]  }
0xb9: {  	[tilespmem:$0x1FFE0] =	vst v39;
	v39 =	vld [tilespmem:s21+$0xFFFFFF50]  }
0xba: {  	[tilespmem:$0x1FFD0] =	vst v37;
	v37 =	vld [tilespmem:s20+$0xFFFFFF50]  }
0xbb: {  	[tilespmem:$0x1FEF0] =	vst v57;
	v57 =	vld [tilespmem:s21+$0xFFFFFEE0]  }
0xbc: {  	[tilespmem:$0x1FEE0] =	vst v56;
	v56 =	vld [tilespmem:s20+$0xFFFFFEE0]  }
0xbd: {  	[tilespmem:$0x1FEB0] =	vst v50;
	v50 =	vld [tilespmem:s21+$0xFFFFFF00]  }
0xbe: {  	v32 =	vmul.f32 v29, v32;
	v29 =	vld [tilespmem:s21+$0xFFFFFE30]  }
0xbf: {  	v31 =	vmul.f32 v31, v30;
	v30 =	vld [tilespmem:s20+$0xFFFFFE30]  }
0xc0: {  	[tilespmem:$0x1FE90] =	vst v0;
	v42 =	vmul.f32 v43, v42;
	v0 =	vld [tilespmem:$0x1FF80]  }
0xc1: {  	v43 =	vmul.f32 v45, v44;
	v44 =	vmul.f32 v1, v48;
	v48 =	vld [tilespmem:$0x1FF90]  }
0xc2: {  	v33 =	vmul.f32 v33, v62;
	v62 =	vld [tilespmem:$0x1FFB0]  }
0xc3: {  	v42 =	vadd.f32 v43, v42;
	v43 =	vld [tilespmem:s20+$0xFFFFFE80]  }
0xc4: {  	v45 =	vmul.f32 v51, v2;
	v51 =	vld [tilespmem:$0x1FFA0]  }
0xc5: {  	v2 =	vld [tilespmem:s21+$0xFFFFFED0]  }
0xc6: {  	v58 =	vmul.f32 v59, v58;
	v59 =	vmul.f32 v46, v52;
	v46 =	vld [tilespmem:s21+$0xFFFFFE80]  }
0xc7: {  	v21 =	vmul.f32 v21, v35;
	v35 =	vld [tilespmem:s20+$0xFFFFFE00]  }
0xc8: {  	v22 =	vmul.f32 v22, v36;
	v36 =	vld [tilespmem:s21+$0xFFFFFE00];
	v63 =	vmul.f32 v63, v0;
	v0 =	vadd.f32 v32, v31  }
0xc9: {  	v37 =	vmul.f32 v37, v39;
	v39 =	vld [tilespmem:s20+$0xFFFFFE10]  }
0xca: {  	v38 =	vmul.f32 v38, v40;
	v40 =	vld [tilespmem:s20+$0xFFFFFE40];
	v0 =	vadd.f32 v63, v0;
	v63 =	vmul.f32 v51, v48  }
0xcb: {  	v31 =	vld [tilespmem:s21+$0xFFFFFEA0];
	v44 =	vadd.f32 v45, v44;
	v21 =	vadd.f32 v21, v22;
	v51 =	vmul.f32 v7, v5  }
0xcc: {  	v45 =	vld [tilespmem:s20+$0xFFFFFEC0];
	v22 =	vmul.f32 v53, v54;
	v42 =	vadd.f32 v63, v42;
	v63 =	vmul.f32 v14, v13  }
0xcd: {  	v53 =	vld [tilespmem:$0x1FFD0];
	v44 =	vadd.f32 v33, v44;
	v5 =	vmul.f32 v49, v20;
	v0 =	vadd.f32 v51, v0  }
0xce: {  	v42 =	vadd.f32 v63, v42;
	v63 =	vld [tilespmem:$0x1FFC0]  }
0xcf: {  	v54 =	vld [tilespmem:$0x1FFE0];
	v49 =	vmul.f32 v55, v34;
	v55 =	vadd.f32 v5, v44;
	(xrf2) =	vadd.scan.msk.f32 $0xffff, v0  }
0xd0: {  	v48 =	vld [tilespmem:s21+$0xFFFFFEC0];
	v7 =	vmul.f32 v61, v60;
	(xrf2) =	vadd.scan.msk.f32 $0xffff, v42  }
0xd1: {  	v41 =	vmul.f32 v41, v47;
	v51 =	vld [tilespmem:s20+$0xFFFFFED0];
	(xrf2) =	vadd.scan.msk.f32 $0xffff, v55  }
0xd2: {  	v58 =	vadd.f32 v7, v58;
	v55 =	vld [tilespmem:$0x1FFF0]  }
0xd3: {  	v32 =	vld [tilespmem:s20+$0xFFFFFEA0];
	v61 =	vadd.f32 v41, v59;
	v7 =	vmul.f32 v63, v62  }
0xd4: {  	v52 =	vmul.f32 v4, v3;
	v60 =	vmul.f32 v8, v6;
	v41 =	vld [tilespmem:s21+$0xFFFFFE90];
	v0 =	vadd.f32 v49, v58  }
0xd5: {  	v21 =	vadd.f32 v22, v21;
	v8 =	vld [tilespmem:s20+$0xFFFFFE90];
	v22 =	vmul.f32 v53, v23;
	v49 =	vadd.f32 v7, v61  }
0xd6: {  	v38 =	vadd.f32 v37, v38;
	v37 =	vld [tilespmem:s21+$0xFFFFFE10];
	v0 =	vadd.f32 v60, v0;
	v60 =	vmul.f32 v45, v48  }
0xd7: {  	v33 =	vld [tilespmem:s21+$0xFFFFFE20];
	v22 =	vadd.f32 v22, v21;
	v61 =	vmul.f32 v51, v2;
	v58 =	vmul.f32 v55, v54  }
0xd8: {  	v34 =	vld [tilespmem:s20+$0xFFFFFE20];
	v44 =	vmul.f32 v43, v46;
	v62 =	vmul.f32 v11, v9;
	v59 =	vadd.f32 v52, v49  }
0xd9: {  	v43 =	vld [tilespmem:s20+$0xFFFFFE50];
	(xrf2) =	vadd.scan.msk.f32 $0xffff, v0;
	v63 =	vmul.f32 v56, v57;
	v45 =	vadd.f32 v61, v60;
	v42 =	vadd.f32 v58, v38;
	v49, _, _ =	vpop (xrf2)  }
0xda: {  	v47 =	vmul.f32 v8, v41;
	v41 =	vld [tilespmem:s21+$0xFFFFFE50];
	(xrf2) =	vadd.scan.msk.f32 $0xffff, v59;
	v21, _, _ =	vpop (xrf2)  }
0xdb: {  	s22 =	simm.s32 $0x0;
	s24 =	simm.s32 $0x40;
	v46 =	vmul.f32 v12, v10;
	v38 =	vld [tilespmem:s21+$0xFFFFFE40];
	v45 =	vadd.f32 v63, v45;
	(xrf2) =	vadd.scan.msk.f32 $0xffff, v22;
	v42 =	vadd.f32 v62, v42;
	v22, _, _ =	vpop (xrf2)  }
.LBB2_2:
0xdc: {  	v48 =	vld [tilespmem:s21+$0xFFFFFE60]  }
0xdd: {  	v8 =	vld [tilespmem:s20+$0xFFFFFE60]  }
0xde: {  	v10 =	vld [tilespmem:s21+$0xFFFFFE70]  }
0xdf: {  	v11 =	vld [tilespmem:s20+$0xFFFFFE70]  }
0xe0: {  	v15 =	vmul.f32 v16, v15;
	v16 =	vmul.f32 v18, v17;
	v17 =	vld [tilespmem:s20+$0xA0]  }
0xe1: {  	v0 =	vld [tilespmem:$0x1FF70]  }
0xe2: {  	v1 =	vld [tilespmem:$0x1FF40]  }
0xe3: {  	v51 =	vld [tilespmem:$0x1FF50]  }
0xe4: {  	v52 =	vld [tilespmem:$0x1FF60]  }
0xe5: {  	v12 =	vld [tilespmem:s20+$0x160]  }
0xe6: {  	v53 =	vld [tilespmem:$0x1FF20]  }
0xe7: {  	v54 =	vld [tilespmem:s20+$0x170]  }
0xe8: {  	v55 =	vld [tilespmem:$0x1FEE0]  }
0xe9: {  	v56 =	vld [tilespmem:$0x1FEF0]  }
0xea: {  	v57 =	vld [tilespmem:$0x1FF00]  }
0xeb: {  	v58 =	vld [tilespmem:$0x1FF10];
	v32 =	vmul.f32 v32, v31  }
0xec: {  	v59 =	vld [tilespmem:$0x1FED0];
	v35 =	vmul.f32 v35, v36;
	v7 =	vmul.f32 v39, v37  }
0xed: {  	v61 =	vld [tilespmem:$0x1FE90];
	v44 =	vadd.f32 v47, v44;
	(xrf2) =	vadd.scan.msk.f32 $0xffff, v42;
	v27 =	vmul.f32 v28, v27;
	v33 =	vmul.f32 v34, v33  }
0xee: {  	v9 =	vadd.f32 v46, v45;
	v47 =	vld [tilespmem:s20+$0xFFFFFF30];
	v40 =	vmul.f32 v40, v38;
	v43 =	vmul.f32 v43, v41  }
0xef: {  	v29 =	vmul.f32 v30, v29;
	v32 =	vadd.f32 v32, v44;
	v28 =	vadd.f32 v7, v35;
	v44 =	vld [tilespmem:s20+$0xFFFFFF20]  }
0xf0: {  	v30 =	vld [tilespmem:s21+$0xFFFFFF30];
	v23 =	vmul.f32 v24, v50;
	v24 =	vmul.f32 v26, v25;
	v31, _, _ =	vpop (xrf2);
	(xrf2) =	vadd.scan.msk.f32 $0xffff, v9;
	v45 =	vadd.f32 v43, v40  }
0xf1: {  	v25 =	vld [tilespmem:s20+$0xFFFFFFE0];
	v46 =	vmul.f32 v8, v48;
	v27 =	vadd.f32 v27, v32;
	v28 =	vadd.f32 v33, v28  }
0xf2: {  	v50 =	vld [tilespmem:$0x1FF30]  }
0xf3: {  	v48 =	vld [tilespmem:s21+$0xFFFFFFF0];
	v38, _, _ =	vpop (xrf2);
	(xrf2) =	vadd.scan.msk.f32 $0xffff, v27;
	v27 =	vadd.f32 v29, v28;
	v28 =	vadd.f32 v46, v45;
	v29 =	vmul.f32 v11, v10  }
0xf4: {  	v23 =	vadd.f32 v24, v23;
	v24 =	vld [tilespmem:s20+$0xFFFFFFF0];
	v20 =	vmul.f32 v44, v19  }
0xf5: {  	v62 =	vld [tilespmem:$0x1FEA0];
	v26, _, _ =	vpop (xrf2);
	(xrf2) =	vadd.scan.msk.f32 $0xffff, v27;
	v27 =	vadd.f32 v29, v28  }
0xf6: {  	v15 =	vadd.f32 v16, v15;
	v16 =	vld [tilespmem:s20+$0xB0];
	v20 =	vadd.f32 v20, v23;
	v23 =	vmul.f32 v47, v30  }
0xf7: {  	v14 =	vmul.f32 v25, v0;
	v18, _, _ =	vpop (xrf2);
	v28 =	vld [tilespmem:s21+$0xB0];
	(xrf2) =	vadd.scan.msk.f32 $0xffff, v27  }
0xf8: {  	v34 =	vld [tilespmem:$0x1FEC0];
	v10 =	vmul.f32 v1, v50;
	v11 =	vmul.f32 v52, v51;
	v20 =	vadd.f32 v23, v20  }
0xf9: {  	v33 =	vld [tilespmem:$0x1FEB0];
	v14 =	vadd.f32 v14, v15;
	v15 =	vmul.f32 v24, v48  }
0xfa: {  	v9 =	vmul.f32 v17, v53;
	v10 =	vadd.f32 v11, v10;
	v13, _, _ =	vpop (xrf2);
	v23 =	vld [tilespmem:s21+$0x170];
	(xrf2) =	vadd.scan.msk.f32 $0xffff, v20  }
0xfb: {  	v5 =	vmul.f32 v56, v55;
	v6 =	vmul.f32 v58, v57;
	v7 =	vld [tilespmem:s21+$0x1E0];
	v14 =	vadd.f32 v15, v14  }
0xfc: {  	v15 =	vld [tilespmem:s20+$0x1E0];
	v9 =	vadd.f32 v9, v10;
	v16 =	vmul.f32 v16, v28  }
0xfd: {  	v60 =	vld [tilespmem:s21+$0x1F0];
	v4 =	vmul.f32 v12, v59;
	v5 =	vadd.f32 v6, v5;
	v8, _, _ =	vpop (xrf2);
	(xrf2) =	vadd.scan.msk.f32 $0xffff, v14  }
0xfe: {  	v3 =	vld [tilespmem:s20+$0x1F0];
	v2 =	vmul.f32 v62, v61;
	v9 =	vadd.f32 v16, v9  }
0xff: {  	v12 =	vadd.f32 v4, v5;
	v0 =	vmul.f32 v34, v33;
	v32 =	vmul.f32 v54, v23  }
0x100: {  	v63, _, _ =	vpop (xrf2);
	(xrf2) =	vadd.scan.msk.f32 $0xffff, v9  }
0x101: {  	v0 =	vadd.f32 v0, v2;
	v36 =	vmul.f32 v15, v7;
	v35 =	vadd.f32 v32, v12;
	v37, _, _ =	vpop (xrf2)  }
0x102: {  	v39 =	vbroadcast v63, $0xF;
	v40 =	vbroadcast v37, $0xF  }
0x103: {  	v42 =	vmul.f32 v3, v60;
	v0 =	vadd.f32 v36, v0;
	v41 =	vbroadcast v8, $0xF;
	(xrf2) =	vadd.scan.msk.f32 $0xffff, v35  }
0x104: {  	v44 =	vbroadcast v13, $0xF;
	v43 =	vsel vm0, v39, v40;
	v45, _, _ =	vpop (xrf2)  }
0x105: {  	v0 =	vadd.f32 v42, v0;
	v1 =	vsel vm1, v43, v41;
	v46 =	vbroadcast v45, $0xF  }
0x106: {  	v47 =	vbroadcast v18, $0xF;
	v1 =	vsel vm2, v1, v44  }
0x107: {  	v48 =	vbroadcast v26, $0xF;
	v1 =	vsel vm3, v1, v46;
	v50, _, _ =	vpop (xrf2);
	(xrf2) =	vadd.scan.msk.f32 $0xffff, v0  }
0x108: {  	v51 =	vsel vm4, v1, v47;
	v52 =	vbroadcast v50, $0xF  }
0x109: {  	v53 =	vbroadcast v38, $0xF;
	v0 =	vsel vm5, v51, v48  }
0x10a: {  	v54 =	vbroadcast v31, $0xF;
	v55, _, _ =	vpop (xrf2);
	v0 =	vsel vm6, v0, v52  }
0x10b: {  	v56 =	vbroadcast v55, $0xF;
	v0 =	vsel vm7, v0, v53  }
0x10c: {  	v57 =	vbroadcast v22, $0xF;
	v0 =	vsel vm8, v0, v54  }
0x10d: {  	s26 =	sshra.s32 s22, $0x2;
	v58 =	vbroadcast v21, $0xF;
	v59, _, _ =	vpop (xrf2);
	v0 =	vsel vm9, v0, v56  }
0x10e: {  	v61 =	vld [tilespmem:s26+$0x10400];
	v60 =	vbroadcast v59, $0xF;
	v0 =	vsel vm10, v0, v57  }
0x10f: {  	v62 =	vbroadcast v49, $0xF;
	v0 =	vsel vm11, v0, v58  }
0x110: {  	v63 =	vld [tilespmem:s26+$0x10600];
	v0 =	vsel vm12, v0, v60  }
0x111: {  	v0 =	vsel vm13, v0, v62;
	v5, _, _ =	vpop (xrf2)  }
0x112: {  	v0 =	vsel vm14, v0, v5  }
0x113: {  	v0 =	vadd.f32 v0, v61;
	_ =	sdelay $0x1  }
0x114: {  	v0 =	vadd.f32 v0, v63;
	_ =	sdelay $0x1  }
0x115: {  	v0 =	vsub.f32 $0.0e+00, v0;
	_ =	sdelay $0x1  }
0x116: {  	v0 =	vmul.f32 $1.442695020e+00, v0;
	_ =	sdelay $0x1  }
0x117: {  	(erf) = vpow2.f32 v0;
	_ =	sdelay $0x8  }
0x118: {  	v0 =	vpop (erf)  }
0x119: {  	v0 =	vadd.f32 $1.000000000e+00, v0;
	_ =	sdelay $0x1  }
0x11a: {  	(erf) = vrcp.f32 v0;
	_ =	sdelay $0x8  }
0x11b: {  	v0 =	vpop (erf)  }
0x11c: {  	s21 =	sadd.s32 $0x400, s21;
	[tilespmem:s26+$0x10800] =	vst v0  }
0x11d: {  	s20 =	sadd.s32 $0x400, s20;
	v0 =	vld [tilespmem:s21+$0x1B0]  }
0x11e: {  	v21 =	vld [tilespmem:s20+$0x1B0]  }
0x11f: {  	v6 =	vld [tilespmem:s21+$0x1C0]  }
0x120: {  	v7 =	vld [tilespmem:s20+$0x1C0]  }
0x121: {  	v8 =	vld [tilespmem:s21+$0x1D0]  }
0x122: {  	v9 =	vld [tilespmem:s20+$0x1D0]  }
0x123: {  	v26 =	vld [tilespmem:s21+$0x1A0]  }
0x124: {  	v29 =	vld [tilespmem:s20+$0x1A0]  }
0x125: {  	v33 =	vld [tilespmem:s21+$0x130]  }
0x126: {  	v35 =	vld [tilespmem:s20+$0x130]  }
0x127: {  	v10 =	vld [tilespmem:s21+$0x160]  }
0x128: {  	v24 =	vld [tilespmem:s21+$0x180]  }
0x129: {  	v25 =	vld [tilespmem:s20+$0x180]  }
0x12a: {  	v30 =	vld [tilespmem:s21+$0x190]  }
0x12b: {  	v47 =	vld [tilespmem:s20+$0x190]  }
0x12c: {  	v22 =	vld [tilespmem:s21+$0xF0]  }
0x12d: {  	v34 =	vld [tilespmem:s20+$0xF0]  }
0x12e: {  	v31 =	vld [tilespmem:s21+$0x120]  }
0x12f: {  	v32 =	vld [tilespmem:s20+$0x120]  }
0x130: {  	v11 =	vld [tilespmem:s21+$0x140]  }
0x131: {  	v36 =	vld [tilespmem:s20+$0x140]  }
0x132: {  	v37 =	vld [tilespmem:s21+$0x150]  }
0x133: {  	v38 =	vld [tilespmem:s20+$0x150]  }
0x134: {  	v41 =	vld [tilespmem:s21+$0xE0]  }
0x135: {  	v44 =	vld [tilespmem:s20+$0xE0]  }
0x136: {  	v53 =	vld [tilespmem:s21+$0x100]  }
0x137: {  	v54 =	vld [tilespmem:s20+$0x100]  }
0x138: {  	v55 =	vld [tilespmem:s21+$0x110]  }
0x139: {  	v56 =	vld [tilespmem:s20+$0x110]  }
0x13a: {  	v39 =	vld [tilespmem:s21+$0x70]  }
0x13b: {  	v40 =	vld [tilespmem:s21+$0xA0]  }
0x13c: {  	v57 =	vld [tilespmem:s21+$0xC0]  }
0x13d: {  	v58 =	vld [tilespmem:s20+$0xC0]  }
0x13e: {  	v59 =	vld [tilespmem:s21+$0xD0]  }
0x13f: {  	v60 =	vld [tilespmem:s20+$0xD0]  }
0x140: {  	v42 =	vld [tilespmem:s21+$0x30]  }
0x141: {  	v51 =	vld [tilespmem:s21+$0x60]  }
0x142: {  	v52 =	vld [tilespmem:s20+$0x60]  }
0x143: {  	v43 =	vld [tilespmem:s21+$0x80]  }
0x144: {  	v45 =	vld [tilespmem:s20+$0x80]  }
0x145: {  	v46 =	vld [tilespmem:s21+$0x90]  }
0x146: {  	v48 =	vld [tilespmem:s20+$0x90]  }
0x147: {  	v61 =	vld [tilespmem:s21+$0x40]  }
0x148: {  	v62 =	vld [tilespmem:s20+$0x40]  }
0x149: {  	v63 =	vld [tilespmem:s21+$0x50]  }
0x14a: {  	v49 =	vld [tilespmem:s21+$0xFFFFFFE0]  }
0x14b: {  	v1 =	vld [tilespmem:s21+$0x0]  }
0x14c: {  	v2 =	vld [tilespmem:s20+$0x0]  }
0x14d: {  	v3 =	vld [tilespmem:s21+$0x10]  }
0x14e: {  	v4 =	vld [tilespmem:s20+$0x10]  }
0x14f: {  	v50 =	vld [tilespmem:s21+$0xFFFFFF70]  }
0x150: {  	v5 =	vld [tilespmem:s21+$0xFFFFFFA0]  }
0x151: {  	v23 =	vld [tilespmem:s20+$0xFFFFFFC0]  }
0x152: {  	v12 =	vld [tilespmem:s20+$0xFFFFFF90]  }
0x153: {  	v13 =	vld [tilespmem:s21+$0xFFFFFEF0]  }
0x154: {  	v19 =	vld [tilespmem:s21+$0xFFFFFF20]  }
0x155: {  	v14 =	vld [tilespmem:s20+$0xFFFFFF40]  }
0x156: {  	v15 =	vld [tilespmem:s21+$0xFFFFFF50]  }
0x157: {  	v16 =	vld [tilespmem:s20+$0xFFFFFF50]  }
0x158: {  	v27 =	vld [tilespmem:s21+$0xFFFFFEB0]  }
0x159: {  	v28 =	vld [tilespmem:s20+$0xFFFFFEB0]  }
0x15a: {  	v17 =	vld [tilespmem:s21+$0xFFFFFEE0]  }
0x15b: {  	v18 =	vld [tilespmem:s20+$0xFFFFFEE0]  }
0x15c: {  	[tilespmem:$0x1FE50] =	vst v39;
	v39 =	vld [tilespmem:s20+$0x70]  }
0x15d: {  	[tilespmem:$0x1FF10] =	vst v38;
	v38 =	vld [tilespmem:s20+$0x30]  }
0x15e: {  	[tilespmem:$0x1FF60] =	vst v48;
	v48 =	vld [tilespmem:s21+$0x20]  }
0x15f: {  	[tilespmem:$0x1FEF0] =	vst v36;
	v36 =	vld [tilespmem:s20+$0x20]  }
0x160: {  	[tilespmem:$0x1FE40] =	vst v0;
	v0 =	vld [tilespmem:s20+$0x50]  }
0x161: {  	[tilespmem:$0x1FF00] =	vst v37;
	v37 =	vld [tilespmem:s21+$0xFFFFFFB0]  }
0x162: {  	[tilespmem:$0x1FF40] =	vst v45;
	v45 =	vld [tilespmem:s20+$0xFFFFFFB0]  }
0x163: {  	[tilespmem:$0x1FF20] =	vst v40;
	v40 =	vld [tilespmem:s20+$0xFFFFFF70]  }
0x164: {  	[tilespmem:$0x1FE90] =	vst v6;
	v6 =	vld [tilespmem:s20+$0xFFFFFFA0]  }
0x165: {  	[tilespmem:$0x1FF70] =	vst v49;
	v49 =	vld [tilespmem:s21+$0xFFFFFFC0]  }
0x166: {  	[tilespmem:$0x1FF30] =	vst v43;
	v43 =	vld [tilespmem:s21+$0xFFFFFFD0]  }
0x167: {  	[tilespmem:$0x1FE60] =	vst v42;
	v42 =	vld [tilespmem:s20+$0xFFFFFFD0]  }
0x168: {  	[tilespmem:$0x1FEA0] =	vst v7;
	v7 =	vld [tilespmem:s21+$0xFFFFFF60]  }
0x169: {  	[tilespmem:$0x1FEB0] =	vst v8;
	v8 =	vld [tilespmem:s20+$0xFFFFFF60]  }
0x16a: {  	[tilespmem:$0x1FEC0] =	vst v9;
	v9 =	vld [tilespmem:s21+$0xFFFFFF80]  }
0x16b: {  	[tilespmem:$0x1FED0] =	vst v10;
	v10 =	vld [tilespmem:s20+$0xFFFFFF80]  }
0x16c: {  	[tilespmem:$0x1FEE0] =	vst v11;
	v11 =	vld [tilespmem:s21+$0xFFFFFF90]  }
0x16d: {  	[tilespmem:$0x1FF50] =	vst v46;
	v46 =	vld [tilespmem:s20+$0xFFFFFEF0]  }
0x16e: {  	[tilespmem:$0x1FE80] =	vst v13;
	v13 =	vld [tilespmem:s21+$0xFFFFFF40]  }
0x16f: {  	[tilespmem:$0x1FE70] =	vst v50;
	v50 =	vld [tilespmem:s21+$0xFFFFFF00]  }
0x170: {  	v20 =	vmul.f32 v25, v24;
	v24 =	vld [tilespmem:s20+$0xFFFFFF00]  }
0x171: {  	v30 =	vmul.f32 v47, v30;
	v25 =	vld [tilespmem:s21+$0xFFFFFF10]  }
0x172: {  	v47 =	vmul.f32 v54, v53;
	v53 =	vmul.f32 v32, v31;
	v31 =	vld [tilespmem:s21+$0xFFFFFEA0]  }
0x173: {  	v32 =	vld [tilespmem:s20+$0xFFFFFEA0]  }
0x174: {  	v58 =	vmul.f32 v58, v57;
	v57 =	vmul.f32 v60, v59;
	v60 =	vld [tilespmem:s20+$0xFFFFFED0]  }
0x175: {  	v22 =	vmul.f32 v34, v22;
	v34 =	vld [tilespmem:s20+$0xFFFFFE20];
	v20 =	vadd.f32 v30, v20;
	v30 =	vmul.f32 v29, v26  }
0x176: {  	v41 =	vmul.f32 v44, v41;
	v44 =	vld [tilespmem:s20+$0xFFFFFE80]  }
0x177: {  	v20 =	vadd.f32 v30, v20;
	v30 =	vld [tilespmem:$0x1FE40]  }
0x178: {  	v59 =	vmul.f32 v62, v61;
	v61 =	vmul.f32 v52, v51;
	v52 =	vld [tilespmem:s20+$0xFFFFFE90]  }
0x179: {  	v51 =	vld [tilespmem:$0x1FE60];
	v58 =	vadd.f32 v57, v58  }
0x17a: {  	v56 =	vmul.f32 v56, v55;
	v26 =	vld [tilespmem:s20+$0xFFFFFF10]  }
0x17b: {  	v33 =	vmul.f32 v35, v33;
	v29 =	vld [tilespmem:s21+$0xFFFFFE30];
	v35 =	vadd.f32 v41, v58  }
0x17c: {  	v47 =	vadd.f32 v56, v47;
	v41 =	vld [tilespmem:s21+$0xFFFFFE50];
	v21 =	vmul.f32 v21, v30  }
0x17d: {  	v0 =	vmul.f32 v0, v63;
	v57 =	vmul.f32 v45, v37;
	v37 =	vld [tilespmem:s21+$0xFFFFFE10];
	v63 =	vadd.f32 v22, v35  }
0x17e: {  	v35 =	vld [tilespmem:$0x1FE50];
	v20 =	vadd.f32 v21, v20;
	v21 =	vadd.f32 v53, v47  }
0x17f: {  	v1 =	vmul.f32 v2, v1;
	v22 =	vld [tilespmem:s21+$0xFFFFFE80]  }
0x180: {  	v62 =	vmul.f32 v4, v3;
	v2 =	vmul.f32 v38, v51;
	v38 =	vld [tilespmem:s21+$0xFFFFFE40];
	v21 =	vadd.f32 v33, v21  }
0x181: {  	v47 =	vld [tilespmem:s21+$0xFFFFFEC0];
	(xrf2) =	vadd.scan.msk.f32 $0xffff, v20  }
0x182: {  	v1 =	vadd.f32 v62, v1;
	v9 =	vmul.f32 v10, v9;
	v62 =	vmul.f32 v12, v11;
	v20 =	vld [tilespmem:s20+$0xFFFFFEC0];
	(xrf2) =	vadd.scan.msk.f32 $0xffff, v21  }
0x183: {  	v0 =	vadd.f32 v0, v59;
	(xrf2) =	vadd.scan.msk.f32 $0xffff, v63;
	v63 =	vld [tilespmem:s21+$0xFFFFFE90]  }
0x184: {  	v55 =	vmul.f32 v16, v15;
	v9 =	vadd.f32 v62, v9;
	v62 =	vmul.f32 v18, v17;
	v53 =	vld [tilespmem:s21+$0xFFFFFED0]  }
0x185: {  	v17 =	vmovc v43;
	v43 =	vld [tilespmem:s20+$0xFFFFFE50];
	v0 =	vadd.f32 v61, v0;
	v4 =	vmul.f32 v39, v35;
	v39 =	vmul.f32 v36, v48  }
0x186: {  	v5 =	vmul.f32 v6, v5;
	v54 =	vmul.f32 v14, v13;
	v61 =	vld [tilespmem:$0x1FE70]  }
0x187: {  	v58 =	vmul.f32 v8, v7;
	v30 =	vld [tilespmem:s20+$0xFFFFFE30];
	v0 =	vadd.f32 v4, v0;
	v1 =	vadd.f32 v39, v1  }
0x188: {  	p0 =	sne.s32 s24, $0x7C0;
	v56 =	vadd.f32 v5, v9;
	v59 =	vmul.f32 v20, v47;
	v47 =	vmul.f32 v52, v63;
	v63 =	vld [tilespmem:$0x1FE80]  }
.Ltmp0:
0x189: {  	v35 =	vld [tilespmem:s20+$0xFFFFFE00];
	v1 =	vadd.f32 v2, v1;
	v60 =	vmul.f32 v60, v53;
	(xrf2) =	vadd.scan.msk.f32 $0xffff, v0;
	v0 =	vadd.f32 v55, v54;
	(pc) =	sbr.rel @p0 .LBB2_2-.Ltmp0, $4  }
0x18a: {  	v15 =	vmov v49;
	v36 =	vld [tilespmem:s21+$0xFFFFFE00];
	v2 =	vadd.f32 v57, v56  }
0x18b: {  	v33 =	vld [tilespmem:s21+$0xFFFFFE20];
	v5 =	vmul.f32 v40, v61;
	v0 =	vadd.f32 v58, v0;
	v49, _, _ =	vpop (xrf2);
	(xrf2) =	vadd.scan.msk.f32 $0xffff, v1;
	v1 =	vadd.f32 v60, v59  }
0x18c: {  	v16 =	vmov v23;
	v18 =	vmov v42;
	v44 =	vmul.f32 v44, v22;
	v39 =	vld [tilespmem:s20+$0xFFFFFE10];
	v21, _, _ =	vpop (xrf2)  }
0x18d: {  	s22 =	smov.u32 s24;
	s24 =	sadd.s32 $0x40, s24;
	v40 =	vld [tilespmem:s20+$0xFFFFFE40];
	v42 =	vadd.f32 v5, v0;
	(xrf2) =	vadd.scan.msk.f32 $0xffff, v2;
	v45 =	vadd.f32 v62, v1;
	v22, _, _ =	vpop (xrf2);
	v46 =	vmul.f32 v46, v63  }
0x18e: {  	v0 =	vld [tilespmem:s21+$0xFFFFFE60]  }
0x18f: {  	v1 =	vld [tilespmem:s20+$0xFFFFFE60]  }
0x190: {  	v4 =	vld [tilespmem:s21+$0xFFFFFE70]  }
0x191: {  	v8 =	vld [tilespmem:s20+$0xFFFFFE70]  }
0x192: {  	v10 =	vld [tilespmem:s20+$0xFFFFFF20]  }
0x193: {  	v12 =	vld [tilespmem:s21+$0xFFFFFF30]  }
0x194: {  	v14 =	vld [tilespmem:s20+$0xFFFFFFE0]  }
0x195: {  	v9 =	vmul.f32 v43, v41;
	v41 =	vld [tilespmem:s21+$0xFFFFFFF0]  }
0x196: {  	v43 =	vld [tilespmem:s20+$0xFFFFFFF0]  }
0x197: {  	v48 =	vld [tilespmem:s21+$0xB0]  }
0x198: {  	v51 =	vld [tilespmem:s20+$0xB0]  }
0x199: {  	v53 =	vld [tilespmem:$0x1FF30]  }
0x19a: {  	v54 =	vld [tilespmem:$0x1FF40]  }
0x19b: {  	v55 =	vld [tilespmem:$0x1FF50]  }
0x19c: {  	v56 =	vld [tilespmem:$0x1FF60]  }
0x19d: {  	v57 =	vld [tilespmem:s20+$0x160]  }
0x19e: {  	v59 =	vld [tilespmem:s21+$0x170]  }
0x19f: {  	v3 =	vmul.f32 v32, v31;
	v11 =	vmul.f32 v28, v27;
	v61 =	vld [tilespmem:$0x1FF20]  }
0x1a0: {  	v62 =	vld [tilespmem:s20+$0x170];
	v5 =	vmul.f32 v35, v36;
	v6 =	vmul.f32 v39, v37  }
0x1a1: {  	v2 =	vadd.f32 v47, v44;
	v13 =	vmul.f32 v30, v29;
	v20 =	vld [tilespmem:$0x1FF00];
	v35 =	vmul.f32 v40, v38  }
0x1a2: {  	v23 =	vld [tilespmem:$0x1FF10];
	v7 =	vadd.f32 v46, v45;
	v36 =	vmul.f32 v34, v33;
	v5 =	vadd.f32 v6, v5  }
0x1a3: {  	v2 =	vadd.f32 v3, v2;
	v37 =	vld [tilespmem:s20+$0xFFFFFF30];
	v0 =	vmul.f32 v1, v0;
	v3 =	vadd.f32 v9, v35  }
0x1a4: {  	v39 =	vmul.f32 v26, v25;
	v38 =	vmul.f32 v24, v50;
	v50 =	vld [tilespmem:$0x1FF70];
	v5 =	vadd.f32 v36, v5  }
0x1a5: {  	v29 =	vld [tilespmem:$0x1FED0];
	(xrf2) =	vadd.scan.msk.f32 $0xffff, v42;
	v2 =	vadd.f32 v11, v2;
	v40 =	vmul.f32 v8, v4;
	v0 =	vadd.f32 v0, v3  }
0x1a6: {  	v46 =	vld [tilespmem:s20+$0xA0];
	(xrf2) =	vadd.scan.msk.f32 $0xffff, v7;
	v42 =	vmul.f32 v10, v19;
	v6 =	vadd.f32 v39, v38;
	v5 =	vadd.f32 v13, v5  }
0x1a7: {  	v44 =	vmul.f32 v16, v15;
	v45 =	vmul.f32 v18, v17;
	v18 =	vld [tilespmem:$0x1FEE0];
	(xrf2) =	vadd.scan.msk.f32 $0xffff, v2;
	v0 =	vadd.f32 v40, v0  }
0x1a8: {  	v19 =	vld [tilespmem:$0x1FEF0];
	v47 =	vadd.f32 v42, v6;
	v1 =	vmul.f32 v37, v12;
	(xrf2) =	vadd.scan.msk.f32 $0xffff, v5  }
0x1a9: {  	v32 =	vld [tilespmem:$0x1FE90];
	v2 =	vadd.f32 v45, v44;
	v3 =	vmul.f32 v14, v50;
	(xrf2) =	vadd.scan.msk.f32 $0xffff, v0  }
0x1aa: {  	v33 =	vld [tilespmem:$0x1FEA0];
	v52 =	vadd.f32 v1, v47;
	v1 =	vmul.f32 v54, v53;
	v5 =	vmul.f32 v56, v55  }
0x1ab: {  	v58 =	vmul.f32 v43, v41;
	v36 =	vld [tilespmem:$0x1FEB0];
	v2 =	vadd.f32 v3, v2  }
0x1ac: {  	v60, _, _ =	vpop (xrf2);
	v37 =	vld [tilespmem:$0x1FEC0];
	v1 =	vadd.f32 v5, v1;
	v5 =	vmul.f32 v46, v61;
	(xrf2) =	vadd.scan.msk.f32 $0xffff, v52  }
0x1ad: {  	v27 =	vld [tilespmem:s20+$0x1E0];
	v11 =	vmul.f32 v23, v20;
	v63, _, _ =	vpop (xrf2);
	v3 =	vmul.f32 v19, v18;
	v2 =	vadd.f32 v58, v2  }
0x1ae: {  	v24 =	vld [tilespmem:s21+$0x1E0];
	v26 =	vmul.f32 v51, v48;
	v25, _, _ =	vpop (xrf2);
	v1 =	vadd.f32 v5, v1  }
0x1af: {  	v30 =	vld [tilespmem:s21+$0x1F0];
	v10 =	vmul.f32 v57, v29;
	v28, _, _ =	vpop (xrf2);
	v3 =	vadd.f32 v11, v3;
	(xrf2) =	vadd.scan.msk.f32 $0xffff, v2  }
0x1b0: {  	v34 =	vld [tilespmem:s20+$0x1F0];
	v4 =	vmul.f32 v62, v59;
	v31, _, _ =	vpop (xrf2);
	v1 =	vadd.f32 v26, v1  }
0x1b1: {  	v9 =	vmul.f32 v37, v36;
	v5 =	vmul.f32 v33, v32;
	v3 =	vadd.f32 v10, v3;
	v35, _, _ =	vpop (xrf2)  }
0x1b2: {  	(xrf2) =	vadd.scan.msk.f32 $0xffff, v1;
	v38, _, _ =	vpop (xrf2)  }
0x1b3: {  	v41 =	vmul.f32 v27, v24;
	v39 =	vadd.f32 v4, v3;
	v40 =	vadd.f32 v9, v5;
	v42, _, _ =	vpop (xrf2)  }
0x1b4: {  	v43 =	vbroadcast v38, $0xF;
	v5 =	vbroadcast v42, $0xF  }
0x1b5: {  	v45 =	vmul.f32 v34, v30;
	v44 =	vbroadcast v35, $0xF;
	v3 =	vadd.f32 v41, v40;
	(xrf2) =	vadd.scan.msk.f32 $0xffff, v39  }
0x1b6: {  	v2 =	vbroadcast v31, $0xF;
	v47, _, _ =	vpop (xrf2);
	v46 =	vsel vm0, v43, v5  }
0x1b7: {  	v3 =	vadd.f32 v45, v3;
	v5 =	vbroadcast v47, $0xF;
	v1 =	vsel vm1, v46, v44  }
0x1b8: {  	v48 =	vbroadcast v28, $0xF;
	v1 =	vsel vm2, v1, v2  }
0x1b9: {  	v50 =	vbroadcast v25, $0xF;
	(xrf2) =	vadd.scan.msk.f32 $0xffff, v3;
	v51, _, _ =	vpop (xrf2);
	v1 =	vsel vm3, v1, v5  }
0x1ba: {  	v52 =	vbroadcast v51, $0xF;
	v1 =	vsel vm4, v1, v48  }
0x1bb: {  	v0 =	vbroadcast v63, $0xF;
	v1 =	vsel vm5, v1, v50  }
0x1bc: {  	v53 =	vbroadcast v60, $0xF;
	v54, _, _ =	vpop (xrf2);
	v1 =	vsel vm6, v1, v52  }
0x1bd: {  	v55 =	vbroadcast v54, $0xF;
	v0 =	vsel vm7, v1, v0  }
0x1be: {  	v56 =	vbroadcast v22, $0xF;
	v0 =	vsel vm8, v0, v53  }
0x1bf: {  	s26 =	sshra.s32 s22, $0x2;
	v57 =	vbroadcast v21, $0xF;
	v58, _, _ =	vpop (xrf2);
	v0 =	vsel vm9, v0, v55  }
0x1c0: {  	v60 =	vld [tilespmem:s26+$0x10400];
	v59 =	vbroadcast v58, $0xF;
	v0 =	vsel vm10, v0, v56  }
0x1c1: {  	v61 =	vbroadcast v49, $0xF;
	v0 =	vsel vm11, v0, v57  }
0x1c2: {  	v62 =	vld [tilespmem:s26+$0x10600];
	v0 =	vsel vm12, v0, v59  }
0x1c3: {  	v63, _, _ =	vpop (xrf2);
	v0 =	vsel vm13, v0, v61  }
0x1c4: {  	v0 =	vsel vm14, v0, v63  }
0x1c5: {  	v0 =	vadd.f32 v0, v60;
	_ =	sdelay $0x1  }
0x1c6: {  	v0 =	vadd.f32 v0, v62;
	_ =	sdelay $0x1  }
0x1c7: {  	v0 =	vsub.f32 $0.0e+00, v0;
	_ =	sdelay $0x1  }
0x1c8: {  	v0 =	vmul.f32 $1.442695020e+00, v0;
	_ =	sdelay $0x1  }
0x1c9: {  	(erf) = vpow2.f32 v0;
	_ =	sdelay $0x8  }
0x1ca: {  	v0 =	vpop (erf)  }
0x1cb: {  	v0 =	vadd.f32 $1.000000000e+00, v0;
	_ =	sdelay $0x1  }
0x1cc: {  	(erf) = vrcp.f32 v0;
	_ =	sdelay $0x7  }
0x1cd: {  	s18 =	sadd.s32 $0x1, s18  }
0x1ce: {  	p0 =	sne.s32 s18, s10;
	v0 =	vpop (erf)  }
.Ltmp1:
0x1cf: {  	[tilespmem:s26+$0x10800] =	vst v0;
	(pc) =	sbr.rel @p0 .LBB2_1-.Ltmp1, $4  }
0x1d0: {  	[hbm4b:s9+s1] =	stream.linear.scatter [tilespmem:s17], [sflag:$0x2], $0x200, $0x38;
	[tilespmem:$0x10A00] =	vst v63  }
0x1d1: {  	_ =	swait.ge [sflag:s11], $0x200  }
0x1d2: {  	[sflag:s11] =	ssyncset.done $0x0  }
0x1d3: {  	[sflag:s11] =	ssyncadd.s32 $0xFFFFFE00  }
0x1d4: {  	_ =	sfence.sel $0x180000  }
0x1d5: {  	[bflag:$0x0] =	sbarrier.arrive $0xFFFF  }
0x1d6: {  	_ =	strace $0x90000047  }
0x1d7: {  	s0 =	stileid.u32;
	[bflag:$0x2] =	sbarrier.arrive $0xFFFF  }
0x1d8: {  	p0 =	sne.s32 s0, $0x0;
	s0 =	rddreg [dreg:$0x4]  }
0x1d9: {  	s0 =	sadd.s32 @!p0 $0x100000, s0  }
0x1da: {  	[sflag:s0] =	ssyncadd.tile.s32 @!p0 $0x1;
	_ =	shalt  }
.Lfunc_end2:
_tile_overlayer_lowered:
.L_overlay_start_2:
0x1db: {  	(tag) =	ssettag $0x2  }
0x1dc: {  	s0 =	rddreg [dreg:$0x0];
	s2 =	stileid.u32  }
0x1dd: {  	s1 =	rddreg [dreg:$0x1];
	p0 =	sne.s32 s2, $0x0  }
0x1de: {  	s3 =	rddreg [dreg:$0x2];
	[bflag:$0x3] =	sbarrier.arrive $0xFFFF;
	s2 =	simm.s32 @!p0 $0x1C02  }
0x1df: {  	[timem:s3], [sflag:s2] =	dma.local @!p0 [hbm:s0], s1  }
0x1e0: {  	s0 =	simm.s32 @!p0 $0x2  }
0x1e1: {  	_ =	swait.ge @!p0 [sflag:s0], s1  }
0x1e2: {  	s1 =	ssub.s32 @!p0 $0x0, s1;
	[sflag:s0] =	ssyncset.done @!p0 $0x0  }
0x1e3: {  	[sflag:s0] =	ssyncadd.s32 @!p0 s1  }
0x1e4: {  	[bflag:$0x3] =	sbarrier.arrive $0xFFFF  }
0x1e5: {  	_ =	shalt  }

</sc_bundles>
